<compile_context>
chip_gen: v7x
topology: tpu7x:2x2x1
jax: 0.10.2.dev20260603
libtpu: 0.0.44.dev20260713+nightly
codegen_flags: <defaults>
</compile_context>

<pallas_src>
import functools

import jax
import jax.numpy as jnp
from jax import lax
from jax.experimental import pallas as pl
from jax.experimental.pallas import tpu as pltpu
from jax.experimental.pallas import tpu_sc as plsc

M = 20000
B = 1024
C, H, W = 3, 32, 32
D = C * H * W

NC, NS = 2, 16
NW = NC * NS
BPW = B // NW
LANES = 16

_mesh = plsc.VectorSubcoreMesh(core_axis_name="c", subcore_axis_name="s")
_sc_params = pltpu.CompilerParams(needs_layout_passes=False)


def _lastmatch_body(a_ref, b_ref, o_ref):
    a = a_ref[...]
    b = b_ref[...]
    eq = a == b
    j = lax.broadcasted_iota(jnp.int32, (B, B), 0)
    o_ref[...] = jnp.max(jnp.where(eq, j, -1), axis=0, keepdims=True)


def _lastmatch(a, b):
    out = pl.pallas_call(
        _lastmatch_body,
        out_shape=jax.ShapeDtypeStruct((1, B), jnp.int32),
    )(a.reshape(B, 1), b.reshape(1, B))
    return out.reshape(B)


def _update_body(buf_ref, lab_ref, xf_ref, y_ref, idx_ref, w_ref, ridx_ref,
                 outlab_ref, rety_ref,
                 idx_v, w_v, rows_v, lab_v, y_v, idxall_v, wall_v, ridx_v,
                 rety_v, sem):
    wid = lax.axis_index("s") * NC + lax.axis_index("c")
    base = wid * BPW

    pltpu.sync_copy(idx_ref.at[pl.ds(base, BPW)], idx_v)
    pltpu.sync_copy(w_ref.at[pl.ds(base, BPW)], w_v)
    pltpu.async_copy(xf_ref.at[w_v], rows_v, sem).wait()
    pltpu.async_copy(rows_v, buf_ref.at[idx_v], sem).wait()

    @pl.when(wid == 0)
    def _():
        pltpu.sync_copy(lab_ref, lab_v)
        pltpu.sync_copy(y_ref, y_v)
        pltpu.sync_copy(idx_ref, idxall_v)
        pltpu.sync_copy(w_ref, wall_v)
        pltpu.sync_copy(ridx_ref, ridx_v)

        def upd(k, carry):
            s = k * LANES
            iv = idxall_v[pl.ds(s, LANES)]
            wv = wall_v[pl.ds(s, LANES)]
            vals = plsc.load_gather(y_v, [wv])
            plsc.store_scatter(lab_v, [iv], vals)
            return carry

        lax.fori_loop(0, B // LANES, upd, 0)

        def ret(k, carry):
            s = k * LANES
            rv = ridx_v[pl.ds(s, LANES)]
            rety_v[pl.ds(s, LANES)] = plsc.load_gather(lab_v, [rv])
            return carry

        lax.fori_loop(0, B // LANES, ret, 0)

        pltpu.sync_copy(lab_v, outlab_ref)
        pltpu.sync_copy(rety_v, rety_ref)


_sc_update = functools.partial(
    pl.kernel,
    out_type=(
        jax.ShapeDtypeStruct((M,), jnp.int32),
        jax.ShapeDtypeStruct((B,), jnp.int32),
    ),
    mesh=_mesh,
    compiler_params=_sc_params,
    scratch_types=[
        pltpu.VMEM((BPW,), jnp.int32),
        pltpu.VMEM((BPW,), jnp.int32),
        pltpu.VMEM((BPW, D), jnp.float32),
        pltpu.VMEM((M,), jnp.int32),
        pltpu.VMEM((B,), jnp.int32),
        pltpu.VMEM((B,), jnp.int32),
        pltpu.VMEM((B,), jnp.int32),
        pltpu.VMEM((B,), jnp.int32),
        pltpu.VMEM((B,), jnp.int32),
        pltpu.SemaphoreType.DMA,
    ],
)(_update_body)


def _gather_body(buf_ref, ridx_ref, out_ref, ridx_v, rows_v, sem):
    wid = lax.axis_index("s") * NC + lax.axis_index("c")
    base = wid * BPW
    pltpu.sync_copy(ridx_ref.at[pl.ds(base, BPW)], ridx_v)
    pltpu.async_copy(buf_ref.at[ridx_v], rows_v, sem).wait()
    pltpu.sync_copy(rows_v, out_ref.at[pl.ds(base, BPW)])


_sc_gather = functools.partial(
    pl.kernel,
    out_type=jax.ShapeDtypeStruct((B, D), jnp.float32),
    mesh=_mesh,
    compiler_params=_sc_params,
    scratch_types=[
        pltpu.VMEM((BPW,), jnp.int32),
        pltpu.VMEM((BPW, D), jnp.float32),
        pltpu.SemaphoreType.DMA,
    ],
)(_gather_body)


def kernel(buffer_img, buffer_label, x, y, idx, retrieve_idx):
    bimg = buffer_img.reshape(M, D)
    xf = x.reshape(B, D)
    w = _lastmatch(idx, idx)

    buf_ref = jax.new_ref(bimg)
    new_lab, ret_y = _sc_update(buf_ref, buffer_label, xf, y, idx, w,
                                retrieve_idx)
    new_bimg = buf_ref[...]
    ret_x = _sc_gather(new_bimg, retrieve_idx)
    return (new_bimg.reshape(M, C, H, W), new_lab,
            ret_x.reshape(B, C, H, W), ret_y)

# --- scband reference (transcript-rebuilt; emitter-appended) ---
"""Pipeline reference for scband-buffer-8813272891622 (READ-ONLY COPY).

The authoritative reference and input builder live on the scoring server;
editing this copy changes nothing except your own understanding.
"""

import jax, jax.numpy as jnp
import numpy as np

M = 20000
B = 1024
C, H, W = 3, 32, 32
N_CLASSES = 100


def setup_inputs(seed: int = 0) -> dict:
    key = jax.random.key(seed)
    k1, k2, k3, k4 = jax.random.split(key, 4)
    buffer_img = jnp.zeros((M, C, H, W), dtype=jnp.float32)
    buffer_label = jnp.zeros((M,), dtype=jnp.int32)
    x = jax.random.normal(k1, (B, C, H, W), dtype=jnp.float32)
    y = jax.random.randint(k2, (B,), 0, N_CLASSES, dtype=jnp.int32)
    idx = jax.random.randint(k3, (B,), 0, M, dtype=jnp.int32)
    retrieve_idx = jax.random.randint(k4, (B,), 0, M, dtype=jnp.int32)
    return {
        "buffer_img": buffer_img,
        "buffer_label": buffer_label,
        "x": x,
        "y": y,
        "idx": idx,
        "retrieve_idx": retrieve_idx,
    }


def reference(buffer_img, buffer_label, x, y, idx, retrieve_idx):
    # update(): random-update method scatter-overwrites incoming batch
    # (x, y) into buffer slots chosen by idx (reservoir-style slot choice).
    new_buffer_img = buffer_img.at[idx].set(x)
    new_buffer_label = buffer_label.at[idx].set(y)
    # retrieve(): random retrieval gathers eps_mem_batch samples from
    # the (updated) buffer at retrieve_idx.
    ret_x = jnp.take(new_buffer_img, retrieve_idx, axis=0)
    ret_y = jnp.take(new_buffer_label, retrieve_idx, axis=0)
    return new_buffer_img, new_buffer_label, ret_x, ret_y

if __name__ == "__main__":
    import jax
    _d = setup_inputs()
    print(jax.jit(kernel)(*tuple(_d.values())))

</pallas_src>

<mosaic_0001>
#map = affine_map<(d0, d1) -> (0, 0)>
#map1 = affine_map<(d0, d1) -> (0)>
module attributes {stable_mosaic.version = 14 : i64} {
  func.func @_gather_body(%arg0: i32, %arg1: i32, %arg2: memref<20000x3072xf32, #tpu.memory_space<hbm>>, %arg3: memref<1024xi32, #tpu.memory_space<hbm>>, %arg4: memref<1024x3072xf32, #tpu.memory_space<hbm>>, %arg5: memref<32xi32, #tpu.memory_space<vmem>>, %arg6: memref<32x3072xf32, #tpu.memory_space<vmem>>, %arg7: memref<!tpu.dma_semaphore, #tpu.memory_space<semaphore_mem>>) attributes {dimension_semantics = [#tpu.dimension_semantics<core_parallel>, #tpu.dimension_semantics<subcore_parallel>], iteration_bounds = array<i64: 2, 16>, scalar_prefetch = 0 : i64, scratch_operands = 3 : i64, tpu.core_type = #tpu.core_type<sc_vector_subcore>, window_params = [{transform_indices = #map}, {transform_indices = #map1}, {transform_indices = #map}]} {
    %mul3A = arith.constant 2 : i32
    %mul3A_0 = arith.muli %arg1, %mul3A : i32
    %add3A = arith.addi %mul3A_0, %arg0 : i32
    %mul3A_1 = arith.constant 32 : i32
    %mul3A_2 = arith.muli %add3A, %mul3A_1 : i32
    "tpu.region"() ({
      %run_scoped3A = tpu.sem_alloc : memref<!tpu.dma_semaphore, #tpu.memory_space<semaphore_mem>>
      %dma_start3A_7 = tpu.memref_slice %arg3[%mul3A_2] : memref<1024xi32, #tpu.memory_space<hbm>> -> memref<32xi32, #tpu.memory_space<hbm>>
      %dma_start3A_8 = tpu.memref_slice %arg3[%mul3A_2] : memref<1024xi32, #tpu.memory_space<hbm>> -> memref<32xi32, #tpu.memory_space<hbm>>
      tpu.enqueue_dma source(%dma_start3A_8 : memref<32xi32, #tpu.memory_space<hbm>>) target(%arg5 : memref<32xi32, #tpu.memory_space<vmem>>) target_semaphore(%run_scoped3A : memref<!tpu.dma_semaphore, #tpu.memory_space<semaphore_mem>>)
      %dma_wait3A_9 = tpu.memref_slice %arg3[%mul3A_2] : memref<1024xi32, #tpu.memory_space<hbm>> -> memref<32xi32, #tpu.memory_space<hbm>>
      %dma_wait3A_10 = tpu.memref_slice %arg3[%mul3A_2] : memref<1024xi32, #tpu.memory_space<hbm>> -> memref<32xi32, #tpu.memory_space<hbm>>
      tpu.wait_dma2 semaphore(%run_scoped3A : memref<!tpu.dma_semaphore, #tpu.memory_space<semaphore_mem>>) src(%dma_wait3A_10 : memref<32xi32, #tpu.memory_space<hbm>>) dst(%arg5 : memref<32xi32, #tpu.memory_space<vmem>>)
      tpu.yield
    }) : () -> ()
    %dma_start3A = arith.constant 0 : i32
    %dma_start3A_3 = arith.constant 0 : i32
    %dma_start3A_4 = tpu.memref_slice %arg2[%dma_start3A, %dma_start3A_3] : memref<20000x3072xf32, #tpu.memory_space<hbm>> -> memref<20000x3072xf32, #tpu.memory_space<hbm>>
    tpu.enqueue_indirect_dma source(%dma_start3A_4 : memref<20000x3072xf32, #tpu.memory_space<hbm>>) target(%arg6 : memref<32x3072xf32, #tpu.memory_space<vmem>>) offsets(%arg5 : memref<32xi32, #tpu.memory_space<vmem>>) semaphore(%arg7 : memref<!tpu.dma_semaphore, #tpu.memory_space<semaphore_mem>>)
    %dma_wait3A = arith.constant 0 : i32
    %dma_wait3A_5 = arith.constant 0 : i32
    %dma_wait3A_6 = tpu.memref_slice %arg2[%dma_wait3A, %dma_wait3A_5] : memref<20000x3072xf32, #tpu.memory_space<hbm>> -> memref<20000x3072xf32, #tpu.memory_space<hbm>>
    tpu.wait_indirect_dma semaphore(%arg7 : memref<!tpu.dma_semaphore, #tpu.memory_space<semaphore_mem>>) src(%dma_wait3A_6 : memref<20000x3072xf32, #tpu.memory_space<hbm>>) dst(%arg6 : memref<32x3072xf32, #tpu.memory_space<vmem>>)
    "tpu.region"() ({
      %run_scoped3A = tpu.sem_alloc : memref<!tpu.dma_semaphore, #tpu.memory_space<semaphore_mem>>
      %dma_start3A_7 = arith.constant 0 : i32
      %dma_start3A_8 = tpu.memref_slice %arg4[%mul3A_2, %dma_start3A_7] : memref<1024x3072xf32, #tpu.memory_space<hbm>> -> memref<32x3072xf32, #tpu.memory_space<hbm>>
      %dma_start3A_9 = arith.constant 0 : i32
      %dma_start3A_10 = tpu.memref_slice %arg4[%mul3A_2, %dma_start3A_9] : memref<1024x3072xf32, #tpu.memory_space<hbm>> -> memref<32x3072xf32, #tpu.memory_space<hbm>>
      tpu.enqueue_dma source(%arg6 : memref<32x3072xf32, #tpu.memory_space<vmem>>) target(%dma_start3A_10 : memref<32x3072xf32, #tpu.memory_space<hbm>>) target_semaphore(%run_scoped3A : memref<!tpu.dma_semaphore, #tpu.memory_space<semaphore_mem>>)
      %dma_wait3A_11 = arith.constant 0 : i32
      %dma_wait3A_12 = tpu.memref_slice %arg4[%mul3A_2, %dma_wait3A_11] : memref<1024x3072xf32, #tpu.memory_space<hbm>> -> memref<32x3072xf32, #tpu.memory_space<hbm>>
      %dma_wait3A_13 = arith.constant 0 : i32
      %dma_wait3A_14 = tpu.memref_slice %arg4[%mul3A_2, %dma_wait3A_13] : memref<1024x3072xf32, #tpu.memory_space<hbm>> -> memref<32x3072xf32, #tpu.memory_space<hbm>>
      tpu.wait_dma2 semaphore(%run_scoped3A : memref<!tpu.dma_semaphore, #tpu.memory_space<semaphore_mem>>) src(%arg6 : memref<32x3072xf32, #tpu.memory_space<vmem>>) dst(%dma_wait3A_14 : memref<32x3072xf32, #tpu.memory_space<hbm>>)
      tpu.yield
    }) : () -> ()
    return
  }
}

#map = affine_map<(d0, d1) -> (0, 0)>
#map1 = affine_map<(d0, d1) -> (0)>
module attributes {stable_mosaic.version = 14 : i64} {
  func.func @new_body(%arg0: i32, %arg1: i32, %arg2: memref<20000x3072xf32, #tpu.memory_space<hbm>>, %arg3: memref<20000xi32, #tpu.memory_space<hbm>>, %arg4: memref<1024x3072xf32, #tpu.memory_space<hbm>>, %arg5: memref<1024xi32, #tpu.memory_space<hbm>>, %arg6: memref<1024xi32, #tpu.memory_space<hbm>>, %arg7: memref<1024xi32, #tpu.memory_space<hbm>>, %arg8: memref<1024xi32, #tpu.memory_space<hbm>>, %arg9: memref<20000xi32, #tpu.memory_space<hbm>>, %arg10: memref<1024xi32, #tpu.memory_space<hbm>>, %arg11: memref<20000x3072xf32, #tpu.memory_space<hbm>>, %arg12: memref<32xi32, #tpu.memory_space<vmem>>, %arg13: memref<32xi32, #tpu.memory_space<vmem>>, %arg14: memref<32x3072xf32, #tpu.memory_space<vmem>>, %arg15: memref<20000xi32, #tpu.memory_space<vmem>>, %arg16: memref<1024xi32, #tpu.memory_space<vmem>>, %arg17: memref<1024xi32, #tpu.memory_space<vmem>>, %arg18: memref<1024xi32, #tpu.memory_space<vmem>>, %arg19: memref<1024xi32, #tpu.memory_space<vmem>>, %arg20: memref<1024xi32, #tpu.memory_space<vmem>>, %arg21: memref<!tpu.dma_semaphore, #tpu.memory_space<semaphore_mem>>) attributes {dimension_semantics = [#tpu.dimension_semantics<core_parallel>, #tpu.dimension_semantics<subcore_parallel>], iteration_bounds = array<i64: 2, 16>, scalar_prefetch = 0 : i64, scratch_operands = 10 : i64, tpu.core_type = #tpu.core_type<sc_vector_subcore>, window_params = [{transform_indices = #map}, {transform_indices = #map1}, {transform_indices = #map}, {transform_indices = #map1}, {transform_indices = #map1}, {transform_indices = #map1}, {transform_indices = #map1}, {transform_indices = #map1}, {transform_indices = #map1}, {transform_indices = #map}]} {
    %mul3A = arith.constant 2 : i32
    %mul3A_0 = arith.muli %arg1, %mul3A : i32
    %add3A = arith.addi %mul3A_0, %arg0 : i32
    %mul3A_1 = arith.constant 32 : i32
    %mul3A_2 = arith.muli %add3A, %mul3A_1 : i32
    "tpu.region"() ({
      %run_scoped3A = tpu.sem_alloc : memref<!tpu.dma_semaphore, #tpu.memory_space<semaphore_mem>>
      %dma_start3A_15 = tpu.memref_slice %arg6[%mul3A_2] : memref<1024xi32, #tpu.memory_space<hbm>> -> memref<32xi32, #tpu.memory_space<hbm>>
      %dma_start3A_16 = tpu.memref_slice %arg6[%mul3A_2] : memref<1024xi32, #tpu.memory_space<hbm>> -> memref<32xi32, #tpu.memory_space<hbm>>
      tpu.enqueue_dma source(%dma_start3A_16 : memref<32xi32, #tpu.memory_space<hbm>>) target(%arg12 : memref<32xi32, #tpu.memory_space<vmem>>) target_semaphore(%run_scoped3A : memref<!tpu.dma_semaphore, #tpu.memory_space<semaphore_mem>>)
      %dma_wait3A_17 = tpu.memref_slice %arg6[%mul3A_2] : memref<1024xi32, #tpu.memory_space<hbm>> -> memref<32xi32, #tpu.memory_space<hbm>>
      %dma_wait3A_18 = tpu.memref_slice %arg6[%mul3A_2] : memref<1024xi32, #tpu.memory_space<hbm>> -> memref<32xi32, #tpu.memory_space<hbm>>
      tpu.wait_dma2 semaphore(%run_scoped3A : memref<!tpu.dma_semaphore, #tpu.memory_space<semaphore_mem>>) src(%dma_wait3A_18 : memref<32xi32, #tpu.memory_space<hbm>>) dst(%arg12 : memref<32xi32, #tpu.memory_space<vmem>>)
      tpu.yield
    }) : () -> ()
    "tpu.region"() ({
      %run_scoped3A = tpu.sem_alloc : memref<!tpu.dma_semaphore, #tpu.memory_space<semaphore_mem>>
      %dma_start3A_15 = tpu.memref_slice %arg7[%mul3A_2] : memref<1024xi32, #tpu.memory_space<hbm>> -> memref<32xi32, #tpu.memory_space<hbm>>
      %dma_start3A_16 = tpu.memref_slice %arg7[%mul3A_2] : memref<1024xi32, #tpu.memory_space<hbm>> -> memref<32xi32, #tpu.memory_space<hbm>>
      tpu.enqueue_dma source(%dma_start3A_16 : memref<32xi32, #tpu.memory_space<hbm>>) target(%arg13 : memref<32xi32, #tpu.memory_space<vmem>>) target_semaphore(%run_scoped3A : memref<!tpu.dma_semaphore, #tpu.memory_space<semaphore_mem>>)
      %dma_wait3A_17 = tpu.memref_slice %arg7[%mul3A_2] : memref<1024xi32, #tpu.memory_space<hbm>> -> memref<32xi32, #tpu.memory_space<hbm>>
      %dma_wait3A_18 = tpu.memref_slice %arg7[%mul3A_2] : memref<1024xi32, #tpu.memory_space<hbm>> -> memref<32xi32, #tpu.memory_space<hbm>>
      tpu.wait_dma2 semaphore(%run_scoped3A : memref<!tpu.dma_semaphore, #tpu.memory_space<semaphore_mem>>) src(%dma_wait3A_18 : memref<32xi32, #tpu.memory_space<hbm>>) dst(%arg13 : memref<32xi32, #tpu.memory_space<vmem>>)
      tpu.yield
    }) : () -> ()
    %dma_start3A = arith.constant 0 : i32
    %dma_start3A_3 = arith.constant 0 : i32
    %dma_start3A_4 = tpu.memref_slice %arg4[%dma_start3A, %dma_start3A_3] : memref<1024x3072xf32, #tpu.memory_space<hbm>> -> memref<1024x3072xf32, #tpu.memory_space<hbm>>
    tpu.enqueue_indirect_dma source(%dma_start3A_4 : memref<1024x3072xf32, #tpu.memory_space<hbm>>) target(%arg14 : memref<32x3072xf32, #tpu.memory_space<vmem>>) offsets(%arg13 : memref<32xi32, #tpu.memory_space<vmem>>) semaphore(%arg21 : memref<!tpu.dma_semaphore, #tpu.memory_space<semaphore_mem>>)
    %dma_wait3A = arith.constant 0 : i32
    %dma_wait3A_5 = arith.constant 0 : i32
    %dma_wait3A_6 = tpu.memref_slice %arg4[%dma_wait3A, %dma_wait3A_5] : memref<1024x3072xf32, #tpu.memory_space<hbm>> -> memref<1024x3072xf32, #tpu.memory_space<hbm>>
    tpu.wait_indirect_dma semaphore(%arg21 : memref<!tpu.dma_semaphore, #tpu.memory_space<semaphore_mem>>) src(%dma_wait3A_6 : memref<1024x3072xf32, #tpu.memory_space<hbm>>) dst(%arg14 : memref<32x3072xf32, #tpu.memory_space<vmem>>)
    %dma_start3A_7 = arith.constant 0 : i32
    %dma_start3A_8 = arith.constant 0 : i32
    %dma_start3A_9 = tpu.memref_slice %arg2[%dma_start3A_7, %dma_start3A_8] : memref<20000x3072xf32, #tpu.memory_space<hbm>> -> memref<20000x3072xf32, #tpu.memory_space<hbm>>
    tpu.enqueue_indirect_dma source(%arg14 : memref<32x3072xf32, #tpu.memory_space<vmem>>) target(%dma_start3A_9 : memref<20000x3072xf32, #tpu.memory_space<hbm>>) offsets(%arg12 : memref<32xi32, #tpu.memory_space<vmem>>) semaphore(%arg21 : memref<!tpu.dma_semaphore, #tpu.memory_space<semaphore_mem>>)
    %dma_wait3A_10 = arith.constant 0 : i32
    %dma_wait3A_11 = arith.constant 0 : i32
    %dma_wait3A_12 = tpu.memref_slice %arg2[%dma_wait3A_10, %dma_wait3A_11] : memref<20000x3072xf32, #tpu.memory_space<hbm>> -> memref<20000x3072xf32, #tpu.memory_space<hbm>>
    tpu.wait_indirect_dma semaphore(%arg21 : memref<!tpu.dma_semaphore, #tpu.memory_space<semaphore_mem>>) src(%arg14 : memref<32x3072xf32, #tpu.memory_space<vmem>>) dst(%dma_wait3A_12 : memref<20000x3072xf32, #tpu.memory_space<hbm>>)
    %eq3A = arith.constant 0 : i32
    %eq3A_13 = arith.cmpi eq, %add3A, %eq3A : i32
    %convert_element_type3A = arith.extui %eq3A_13 : i1 to i32
    %cond3A = arith.constant 0 : i32
    %cond3A_14 = arith.cmpi ne, %convert_element_type3A, %cond3A : i32
    scf.if %cond3A_14 {
      "tpu.region"() ({
        %run_scoped3A = tpu.sem_alloc : memref<!tpu.dma_semaphore, #tpu.memory_space<semaphore_mem>>
        tpu.enqueue_dma source(%arg3 : memref<20000xi32, #tpu.memory_space<hbm>>) target(%arg15 : memref<20000xi32, #tpu.memory_space<vmem>>) target_semaphore(%run_scoped3A : memref<!tpu.dma_semaphore, #tpu.memory_space<semaphore_mem>>)
        tpu.wait_dma2 semaphore(%run_scoped3A : memref<!tpu.dma_semaphore, #tpu.memory_space<semaphore_mem>>) src(%arg3 : memref<20000xi32, #tpu.memory_space<hbm>>) dst(%arg15 : memref<20000xi32, #tpu.memory_space<vmem>>)
        tpu.yield
      }) : () -> ()
      "tpu.region"() ({
        %run_scoped3A = tpu.sem_alloc : memref<!tpu.dma_semaphore, #tpu.memory_space<semaphore_mem>>
        tpu.enqueue_dma source(%arg5 : memref<1024xi32, #tpu.memory_space<hbm>>) target(%arg16 : memref<1024xi32, #tpu.memory_space<vmem>>) target_semaphore(%run_scoped3A : memref<!tpu.dma_semaphore, #tpu.memory_space<semaphore_mem>>)
        tpu.wait_dma2 semaphore(%run_scoped3A : memref<!tpu.dma_semaphore, #tpu.memory_space<semaphore_mem>>) src(%arg5 : memref<1024xi32, #tpu.memory_space<hbm>>) dst(%arg16 : memref<1024xi32, #tpu.memory_space<vmem>>)
        tpu.yield
      }) : () -> ()
      "tpu.region"() ({
        %run_scoped3A = tpu.sem_alloc : memref<!tpu.dma_semaphore, #tpu.memory_space<semaphore_mem>>
        tpu.enqueue_dma source(%arg6 : memref<1024xi32, #tpu.memory_space<hbm>>) target(%arg17 : memref<1024xi32, #tpu.memory_space<vmem>>) target_semaphore(%run_scoped3A : memref<!tpu.dma_semaphore, #tpu.memory_space<semaphore_mem>>)
        tpu.wait_dma2 semaphore(%run_scoped3A : memref<!tpu.dma_semaphore, #tpu.memory_space<semaphore_mem>>) src(%arg6 : memref<1024xi32, #tpu.memory_space<hbm>>) dst(%arg17 : memref<1024xi32, #tpu.memory_space<vmem>>)
        tpu.yield
      }) : () -> ()
      "tpu.region"() ({
        %run_scoped3A = tpu.sem_alloc : memref<!tpu.dma_semaphore, #tpu.memory_space<semaphore_mem>>
        tpu.enqueue_dma source(%arg7 : memref<1024xi32, #tpu.memory_space<hbm>>) target(%arg18 : memref<1024xi32, #tpu.memory_space<vmem>>) target_semaphore(%run_scoped3A : memref<!tpu.dma_semaphore, #tpu.memory_space<semaphore_mem>>)
        tpu.wait_dma2 semaphore(%run_scoped3A : memref<!tpu.dma_semaphore, #tpu.memory_space<semaphore_mem>>) src(%arg7 : memref<1024xi32, #tpu.memory_space<hbm>>) dst(%arg18 : memref<1024xi32, #tpu.memory_space<vmem>>)
        tpu.yield
      }) : () -> ()
      "tpu.region"() ({
        %run_scoped3A = tpu.sem_alloc : memref<!tpu.dma_semaphore, #tpu.memory_space<semaphore_mem>>
        tpu.enqueue_dma source(%arg8 : memref<1024xi32, #tpu.memory_space<hbm>>) target(%arg19 : memref<1024xi32, #tpu.memory_space<vmem>>) target_semaphore(%run_scoped3A : memref<!tpu.dma_semaphore, #tpu.memory_space<semaphore_mem>>)
        tpu.wait_dma2 semaphore(%run_scoped3A : memref<!tpu.dma_semaphore, #tpu.memory_space<semaphore_mem>>) src(%arg8 : memref<1024xi32, #tpu.memory_space<hbm>>) dst(%arg19 : memref<1024xi32, #tpu.memory_space<vmem>>)
        tpu.yield
      }) : () -> ()
      %scan3A = arith.constant 0 : i32
      %scan3A_15 = arith.constant 0 : i32
      %scan3A_16 = arith.constant 64 : i32
      %scan3A_17 = arith.addi %scan3A_15, %scan3A_16 : i32
      %scan3A_18 = arith.constant 1 : i32
      scf.for %scan3A_26 = %scan3A_15 to %scan3A_17 step %scan3A_18  : i32 {
        %mul3A_27 = arith.constant 16 : i32
        %mul3A_28 = arith.muli %scan3A_26, %mul3A_27 : i32
        %get3A = arith.index_cast %mul3A_28 : i32 to index
        %get3A_29 = tpu.vector_load %arg17[%get3A] {strides = array<i32>} : memref<1024xi32, #tpu.memory_space<vmem>>, vector<16xi32>,
        %get3A_30 = arith.index_cast %mul3A_28 : i32 to index
        %get3A_31 = tpu.vector_load %arg18[%get3A_30] {strides = array<i32>} : memref<1024xi32, #tpu.memory_space<vmem>>, vector<16xi32>,
        %gather3A = tpu.vector_load_idx %arg16[%get3A_31] : memref<1024xi32, #tpu.memory_space<vmem>>[vector<16xi32>], vector<16xi32>,
        tpu.vector_store_idx %arg15[%get3A_29], %gather3A : memref<20000xi32, #tpu.memory_space<vmem>>[vector<16xi32>], vector<16xi32>,
      }
      %scan3A_19 = arith.constant 64 : i32
      %scan3A_20 = arith.constant 0 : i32
      %scan3A_21 = arith.constant 0 : i32
      %scan3A_22 = arith.constant 64 : i32
      %scan3A_23 = arith.addi %scan3A_21, %scan3A_22 : i32
      %scan3A_24 = arith.constant 1 : i32
      scf.for %scan3A_26 = %scan3A_21 to %scan3A_23 step %scan3A_24  : i32 {
        %mul3A_27 = arith.constant 16 : i32
        %mul3A_28 = arith.muli %scan3A_26, %mul3A_27 : i32
        %get3A = arith.index_cast %mul3A_28 : i32 to index
        %get3A_29 = tpu.vector_load %arg19[%get3A] {strides = array<i32>} : memref<1024xi32, #tpu.memory_space<vmem>>, vector<16xi32>,
        %gather3A = tpu.vector_load_idx %arg15[%get3A_29] : memref<20000xi32, #tpu.memory_space<vmem>>[vector<16xi32>], vector<16xi32>,
        %swap3A = arith.index_cast %mul3A_28 : i32 to index
        %swap3A_30 = tpu.vector_load %arg20[%swap3A] {strides = array<i32>} : memref<1024xi32, #tpu.memory_space<vmem>>, vector<16xi32>,
        tpu.vector_store %arg20[%swap3A], %gather3A {strides = array<i32>} : memref<1024xi32, #tpu.memory_space<vmem>>, vector<16xi32>,
      }
      %scan3A_25 = arith.constant 64 : i32
      "tpu.region"() ({
        %run_scoped3A = tpu.sem_alloc : memref<!tpu.dma_semaphore, #tpu.memory_space<semaphore_mem>>
        tpu.enqueue_dma source(%arg15 : memref<20000xi32, #tpu.memory_space<vmem>>) target(%arg9 : memref<20000xi32, #tpu.memory_space<hbm>>) target_semaphore(%run_scoped3A : memref<!tpu.dma_semaphore, #tpu.memory_space<semaphore_mem>>)
        tpu.wait_dma2 semaphore(%run_scoped3A : memref<!tpu.dma_semaphore, #tpu.memory_space<semaphore_mem>>) src(%arg15 : memref<20000xi32, #tpu.memory_space<vmem>>) dst(%arg9 : memref<20000xi32, #tpu.memory_space<hbm>>)
        tpu.yield
      }) : () -> ()
      "tpu.region"() ({
        %run_scoped3A = tpu.sem_alloc : memref<!tpu.dma_semaphore, #tpu.memory_space<semaphore_mem>>
        tpu.enqueue_dma source(%arg20 : memref<1024xi32, #tpu.memory_space<vmem>>) target(%arg10 : memref<1024xi32, #tpu.memory_space<hbm>>) target_semaphore(%run_scoped3A : memref<!tpu.dma_semaphore, #tpu.memory_space<semaphore_mem>>)
        tpu.wait_dma2 semaphore(%run_scoped3A : memref<!tpu.dma_semaphore, #tpu.memory_space<semaphore_mem>>) src(%arg20 : memref<1024xi32, #tpu.memory_space<vmem>>) dst(%arg10 : memref<1024xi32, #tpu.memory_space<hbm>>)
        tpu.yield
      }) : () -> ()
    } else {
    }
    return
  }
}

module attributes {stable_mosaic.version = 14 : i64} {
  func.func @_lastmatch_body(%arg0: memref<1024x1xi32, #tpu.memory_space<vmem>>, %arg1: memref<1x1024xi32, #tpu.memory_space<vmem>>, %arg2: memref<1x1024xi32, #tpu.memory_space<vmem>>) attributes {dimension_semantics = [], scalar_prefetch = 0 : i64, scratch_operands = 0 : i64, tpu.core_type = #tpu.core_type<tc>} {
    %get3A = arith.constant 0 : index
    %get3A_0 = arith.constant 0 : index
    %get3A_1 = vector.load %arg0[%get3A, %get3A_0] : memref<1024x1xi32, #tpu.memory_space<vmem>>, vector<1024x1xi32>
    %get3A_2 = arith.constant 0 : index
    %get3A_3 = arith.constant 0 : index
    %get3A_4 = vector.load %arg1[%get3A_2, %get3A_3] : memref<1x1024xi32, #tpu.memory_space<vmem>>, vector<1x1024xi32>
    %eq3A = vector.broadcast %get3A_1 : vector<1024x1xi32> to vector<1024x1024xi32>
    %eq3A_5 = vector.broadcast %get3A_4 : vector<1x1024xi32> to vector<1024x1024xi32>
    %eq3A_6 = arith.cmpi eq, %eq3A, %eq3A_5 : vector<1024x1024xi32>
    %iota3A = tpu.iota {dimensions = array<i32: 0>} : vector<1024x1024xi32>
    %jit3A = arith.constant -1 : i32
    %broadcast_in_dim3A = vector.broadcast %jit3A : i32 to vector<1024x1024xi32>
    %select_n3A = arith.select %eq3A_6, %iota3A, %broadcast_in_dim3A : vector<1024x1024xi1>, vector<1024x1024xi32>
    %reduce_max3A = arith.constant dense<-2147483648> : vector<1024xi32>
    %reduce_max3A_7 = vector.multi_reduction <maxsi>, %select_n3A, %reduce_max3A [0] : vector<1024x1024xi32> to vector<1024xi32>
    %broadcast_in_dim3A_8 = vector.shape_cast %reduce_max3A_7 : vector<1024xi32> to vector<1x1024xi32>
    %swap3A = arith.constant 0 : index
    %swap3A_9 = arith.constant 0 : index
    %swap3A_10 = vector.load %arg2[%swap3A, %swap3A_9] : memref<1x1024xi32, #tpu.memory_space<vmem>>, vector<1x1024xi32>
    tpu.vector_store %arg2[%swap3A, %swap3A_9], %broadcast_in_dim3A_8 {strides = array<i32>} : memref<1x1024xi32, #tpu.memory_space<vmem>>, vector<1x1024xi32>,
    return
  }
}

</mosaic_0001>

<sc_bundles>
// kernel: kernel.5.cloned.1.call-start
scs
__scs_entry_jumppad:
0x0: {  	(pc) =	sbr.rel $0x88, $3  }
0x1: {  	(tag) =	ssettag $0x0;
	lr =	simm.s32 $0x1  }
0x2: {  	[smem:$0x3F9B] =	sst lr;
	_ =	strace $0xD0000000  }
0x3: {  	_ = 	snop  }
0x4: {  	_ = 	snop  }
0x5: {  	_ = 	snop  }
0x6: {  	_ = 	snop  }
0x7: {  	_ = 	snop  }
__scs_overlays_trampoline_lowered:
0x8: {  	[smem:$0x3FAA] =	sst s0  }
0x9: {  	[smem:$0x3FAB] =	sst s1  }
0xa: {  	[smem:$0x3FAC] =	sst s2  }
0xb: {  	[smem:$0x3FAD] =	sst s3  }
0xc: {  	[smem:$0x3FAE] =	sst s4  }
0xd: {  	[smem:$0x3FAF] =	sst s5  }
0xe: {  	[smem:$0x3FB0] =	sst s6  }
0xf: {  	[smem:$0x3FB1] =	sst s7  }
0x10: {  	[smem:$0x3FB2] =	sst s8  }
0x11: {  	[smem:$0x3FB3] =	sst s9;
	s0 =	simm.s32 @!p0 $0x0  }
0x12: {  	s1 =	sld [smem:$0x3F99];
	s0 =	simm.s32 @p0 $0x1  }
0x13: {  	[smem:$0x3FB4] =	sst s0;
	s0 =	simm.s32 @!p1 $0x0  }
0x14: {  	s2 =	sld [smem:$0x3F98];
	s0 =	simm.s32 @p1 $0x1  }
0x15: {  	[smem:$0x3FB5] =	sst s0;
	s0 =	simm.s32 @!p2 $0x0  }
0x16: {  	s3 =	sld [smem:$0x3FDB];
	s0 =	simm.s32 @p2 $0x1  }
0x17: {  	s4 =	simm.s32 $0x1BF5;
	[smem:$0x3FB7] =	sst s0  }
0x18: {  	s0 =	sld [smem:$0x3F9A];
	_ =	swait.ge [sflag:s4], $0x0  }
0x19: {  	s7 =	sld [smem:$0x3F9B]  }
0x1a: {  	s8 =	sadd.s32 $0xFFFFE003, lr  }
0x1b: {  	s9 =	sadd.s32 $0xFFFFFEF7, lr;
	s5 =	simm.s32 $0xFFFFFFFF;
	p2 =	slt.u32 s8, $0xFFFFF086  }
0x1c: {  	p1 =	slt.u32 s9, $0xF7A;
	s5 =	simm.s32 @!p2 $0x0  }
0x1d: {  	s5 =	simm.s32 @p1 $0x1;
	p0 =	seq.s32 s7, s2  }
0x1e: {  	s7 =	smul.u32 @!p0 $0xF7A, s2;
	p2 =	seq.s32 @!p0 s5, $0x0  }
0x1f: {  	s9 =	smul.u32 $0xF7A, s1;
	s8 =	simm.s32 @!p0 $0x1BF5;
	p2 =	por !p2, p0  }
0x20: {  	[sflag:s8] =	ssyncset.s32 @!p0 $0xFFFFF086;
	s6 =	sadd.s32 @!p0 s3, s7;
	s7 =	simm.s32 @!p0 $0x108  }
0x21: {  	s3 =	sadd.s32 s3, s9;
	s6 =	sadd.s32 @!p0 $0x88, s6;
	s7 =	simm.s32 @p2 $0x1082  }
0x22: {  	[simem:s7], [sflag:s8] =	dma.local @!p0 [hbm:s6], $0xF7A  }
0x23: {  	s9 =	sor.u32 $0xD0000000, s2;
	s6 =	simm.s32 $0x108;
	_ =	swait.ge @!p0 [sflag:s8], $0x0  }
0x24: {  	s3 =	sadd.s32 $0x88, s3;
	s6 =	simm.s32 @!p1 $0x1082;
	[sflag:s4] =	ssyncset.s32 $0xFFFFF086  }
0x25: {  	[simem:s6], [sflag:s4] =	dma.local [hbm:s3], $0xF7A  }
0x26: {  	[smem:$0x3F9B] =	sst s1;
	(tag) =	ssettag s2;
	_ =	strace s9  }
0x27: {  	s1 =	sld [smem:$0x3FAB]  }
0x28: {  	s2 =	sld [smem:$0x3FAC]  }
0x29: {  	s4 =	sld [smem:$0x3FAE]  }
0x2a: {  	p0 =	seq.s32 s5, $0x0;
	s5 =	sld [smem:$0x3FAF]  }
0x2b: {  	s6 =	sld [smem:$0x3FB0]  }
0x2c: {  	s7 =	sld [smem:$0x3FB1]  }
0x2d: {  	s3 =	simm.s32 $0x108;
	s8 =	sld [smem:$0x3FB2]  }
0x2e: {  	s3 =	simm.s32 @!p0 $0x1082;
	s9 =	sld [smem:$0x3FB3]  }
0x2f: {  	lr =	sadd.s32 s0, s3;
	s0 =	sld [smem:$0x3FAA]  }
0x30: {  	s3 =	sld [smem:$0x3FAD]  }
0x31: {  	[smem:$0x3FB6] =	sst s10  }
0x32: {  	s10 =	sld [smem:$0x3FB4];
	_ =	sdelay $0x3  }
0x33: {  	p0 =	seq.s32 s10, $0x1;
	s10 =	sld [smem:$0x3FB6];
	_ =	sdelay $0x3  }
0x34: {  	[smem:$0x3FB6] =	sst s10  }
0x35: {  	s10 =	sld [smem:$0x3FB5];
	_ =	sdelay $0x3  }
0x36: {  	p1 =	seq.s32 s10, $0x1;
	s10 =	sld [smem:$0x3FB6];
	_ =	sdelay $0x3  }
0x37: {  	[smem:$0x3FB6] =	sst s10  }
0x38: {  	s10 =	sld [smem:$0x3FB7]  }
0x39: {  	_ = 	snop;
	(pc) =	sbr.ind lr, $3  }
0x3a: {  	_ = 	snop  }
0x3b: {  	_ = 	snop  }
0x3c: {  	p2 =	seq.s32 s10, $0x1;
	s10 =	sld [smem:$0x3FB6]  }
0x3d: {  	_ =	shalt  }
0x3e: {  	_ =	shalt  }
0x3f: {  	_ =	shalt  }
0x40: {  	_ =	shalt  }
0x41: {  	_ =	shalt  }
0x42: {  	_ =	shalt  }
0x43: {  	_ =	shalt  }
0x44: {  	_ =	shalt  }
0x45: {  	_ =	shalt  }
0x46: {  	_ =	shalt  }
0x47: {  	_ =	shalt  }
0x48: {  	_ =	shalt  }
0x49: {  	_ =	shalt  }
0x4a: {  	_ =	shalt  }
0x4b: {  	_ =	shalt  }
0x4c: {  	_ =	shalt  }
0x4d: {  	_ =	shalt  }
0x4e: {  	_ =	shalt  }
0x4f: {  	_ =	shalt  }
0x50: {  	_ =	shalt  }
0x51: {  	_ =	shalt  }
0x52: {  	_ =	shalt  }
0x53: {  	_ =	shalt  }
0x54: {  	_ =	shalt  }
0x55: {  	_ =	shalt  }
0x56: {  	_ =	shalt  }
0x57: {  	_ =	shalt  }
0x58: {  	_ =	shalt  }
0x59: {  	_ =	shalt  }
0x5a: {  	_ =	shalt  }
0x5b: {  	_ =	shalt  }
0x5c: {  	_ =	shalt  }
0x5d: {  	_ =	shalt  }
0x5e: {  	_ =	shalt  }
0x5f: {  	_ =	shalt  }
0x60: {  	_ =	shalt  }
0x61: {  	_ =	shalt  }
0x62: {  	_ =	shalt  }
0x63: {  	_ =	shalt  }
0x64: {  	_ =	shalt  }
0x65: {  	_ =	shalt  }
0x66: {  	_ =	shalt  }
0x67: {  	_ =	shalt  }
0x68: {  	_ =	shalt  }
0x69: {  	_ =	shalt  }
0x6a: {  	_ =	shalt  }
0x6b: {  	_ =	shalt  }
0x6c: {  	_ =	shalt  }
0x6d: {  	_ =	shalt  }
0x6e: {  	_ =	shalt  }
0x6f: {  	_ =	shalt  }
0x70: {  	_ =	shalt  }
0x71: {  	_ =	shalt  }
0x72: {  	_ =	shalt  }
0x73: {  	_ =	shalt  }
0x74: {  	_ =	shalt  }
0x75: {  	_ =	shalt  }
0x76: {  	_ =	shalt  }
0x77: {  	_ =	shalt  }
0x78: {  	_ =	shalt  }
0x79: {  	_ =	shalt  }
0x7a: {  	_ =	shalt  }
0x7b: {  	_ =	shalt  }
0x7c: {  	_ =	shalt  }
0x7d: {  	_ =	shalt  }
0x7e: {  	_ =	shalt  }
0x7f: {  	_ =	shalt  }
0x80: {  	_ =	shalt  }
0x81: {  	_ =	shalt  }
0x82: {  	_ =	shalt  }
0x83: {  	_ =	shalt  }
0x84: {  	_ =	shalt  }
0x85: {  	_ =	shalt  }
0x86: {  	_ =	shalt  }
0x87: {  	_ =	shalt  }
.Lfunc_end0:
.L_simem_size_0:
called_computation_lowered:
.L_overlay_start_0:
0x88: {  	s2 =	sld [smem:$0x3FD9]  }
0x89: {  	s3 =	sld [smem:$0x3FFE];
	_ =	sdelay $0x1  }
0x8a: {  	s1 =	srdreg.scid  }
0x8b: {  	s0 =	sand.u32 $0x1, s1  }
0x8c: {  	s14 =	sshll.u32 s0, $0xA;
	s2 =	sadd.s32 s3, s2  }
0x8d: {  	s2 =	sadd.s32 s2, s14  }
0x8e: {  	[smem:$0x3FC2] =	sst s2  }
0x8f: {  	_ = 	snop  }
0x90: {  	s2 =	sld [smem:$0x3FC8]  }
0x91: {  	s15 =	sld [smem:$0x3FD0]  }
0x92: {  	s4 =	sld [smem:$0x3FC6]  }
0x93: {  	s5 =	sld [smem:$0x3FC5]  }
0x94: {  	s7 =	simm.s32 $0xA;
	s8 =	simm.s32 $0x10;
	s6 =	sld [smem:$0x3FC4]  }
0x95: {  	[smem:s8], [sflag:s7] =	dma.local [hbm:s15], $0x1  }
0x96: {  	_ =	swait.eq [sflag:s7], $0x1  }
0x97: {  	s16 =	sld [smem:$0x10]  }
0x98: {  	s17 =	sld [smem:$0x11];
	[sflag:s7] =	ssyncset.done $0x0  }
0x99: {  	s9 =	sld [smem:$0x12];
	[sflag:s7] =	ssyncadd.s32 $0xFFFFFFFF  }
0x9a: {  	s18 =	sld [smem:$0x13];
	(tm) =	ssettm $0x1  }
0x9b: {  	s10 =	sld [smem:$0x3FFB];
	_ =	sdelay $0x3  }
0x9c: {  	_ =	strace s10  }
0x9d: {  	s10 =	sld [smem:$0x3FFC];
	_ =	sdelay $0x3  }
0x9e: {  	_ =	strace s10  }
0x9f: {  	s10 =	sld [smem:$0x3FFD];
	_ =	sdelay $0x3  }
0xa0: {  	_ =	strace s10  }
0xa1: {  	_ =	strace $0x8FFFFFFF  }
0xa2: {  	s19 =	sld [smem:$0x3FDB];
	_ =	sdelay $0x1  }
0xa3: {  	s11 =	simm.s32 $_scs_section_size  }
0xa4: {  	s12 =	simm.s32 $_size__tile_overlayer_lowered;
	s13 =	simm.s32 $_tile_overlayer_lowered  }
0xa5: {  	s22 =	simm.s32 $0x1BFF;
	s21 =	sshll.u32 s13, $0x1;
	s10 =	sadd.s32 s11, s19  }
0xa6: {  	s20 =	sshll.u32 s12, $0x1;
	s14 =	simm.s32 $0x0;
	s12 =	sadd.s32 s21, s10  }
0xa7: {  	[timem:s14], [sflag:s22] =	dma.local [hbm:s12], s20  }
0xa8: {  	_ =	swait.ge [sflag:s22], s20  }
0xa9: {  	s11 =	ssub.s32 $0x0, s20;
	[sflag:s22] =	ssyncset.done $0x0  }
0xaa: {  	[sflag:s22] =	ssyncadd.s32 s11;
	_ =	sdelay $0x1  }
0xab: {  	s23 =	simm.s32 $0x1B8B  }
0xac: {  	_ =	swait.ge [sflag:s23], $0x1  }
0xad: {  	[sflag:s23] =	ssyncset.done $0x0  }
0xae: {  	s25 =	simm.s32 $0x1B8E;
	s24 =	sld [smem:$0x3FFE];
	[sflag:s23] =	ssyncadd.s32 $0xFFFFFFFF  }
0xaf: {  	s26 =	simm.s32 $execute0_lowered;
	[smem:$0x3FD2] =	sst s25  }
0xb0: {  	s12 =	sshll.u32 s26, $0x1;
	_ =	strace $0x80000046;
	[dreg:$0x1] =	wrdreg $0xFFFFFFFF  }
0xb1: {  	s28 =	simm.s32 $_size_execute0_lowered;
	s10 =	sadd.s32 s10, s12;
	[dreg:$0x0] =	wrdreg $0x0  }
0xb2: {  	s12 =	sshll.u32 s28, $0x1;
	[dreg:$0x2] =	wrdreg s10  }
0xb3: {  	[dreg:$0x3] =	wrdreg s12  }
0xb4: {  	[dreg:$0x4] =	wrdreg $0xC0  }
0xb5: {  	_ =	task [dreg:s14], $0x5FFFF  }
0xb6: {  	[dreg:$0x1] =	wrdreg $0xFFFFFFFF  }
0xb7: {  	[dreg:$0x0] =	wrdreg $0x60  }
0xb8: {  	[dreg:$0x2] =	wrdreg s24  }
0xb9: {  	[dreg:$0x3] =	wrdreg s2  }
0xba: {  	[dreg:$0x4] =	wrdreg s9  }
0xbb: {  	[dreg:$0x5] =	wrdreg s4  }
0xbc: {  	[dreg:$0x6] =	wrdreg s5  }
0xbd: {  	[dreg:$0x7] =	wrdreg s16  }
0xbe: {  	[dreg:$0x8] =	wrdreg s6  }
0xbf: {  	[dreg:$0x9] =	wrdreg s17  }
0xc0: {  	[dreg:$0xa] =	wrdreg s18  }
0xc1: {  	[dreg:$0xb] =	wrdreg $0x9  }
0xc2: {  	_ =	task.clear_ibuf [dreg:s14], $0xCFFFF;
	_ =	strace $0x90000046  }
0xc3: {  	s29 =	simm.s32 $0x9;
	_ =	strace $0x80000048  }
0xc4: {  	_ =	swait.ge [sflag:s29], $0x1  }
0xc5: {  	[sflag:s29] =	ssyncadd.s32 $0xFFFFFFFF  }
0xc6: {  	_ =	strace $0x90000048  }
0xc7: {  	_ =	sfence  }
0xc8: {  	s30 =	sld [smem:$0x0];
	_ =	sdelay $0x2  }
0xc9: {  	s31 =	sshll.u32 s1, $0xD;
	s1 =	sshrl.u32 s1, $0x2  }
0xca: {  	s3 =	sand.u32 $0x4000, s31;
	s1 =	sadd.s32 s1, s30  }
0xcb: {  	s0 =	sor.u32 s3, s0;
	s1 =	sshll.u32 s1, $0x11  }
0xcc: {  	s0 =	sor.u32 s1, s0  }
0xcd: {  	s0 =	sadd.s32 $0x8F2B, s0  }
0xce: {  	[sflag:s0] =	ssyncadd.remote.s32 $0x1  }
0xcf: {  	_ =	sfence.sel $0xFFFF  }
0xd0: {  	[dreg:$0x0] =	wrdreg $0xFFFFFFFF;
	(pc) =	sbr.abs _section_cstart, $3  }
0xd1: {  	[dreg:$0x1] =	wrdreg $0xFFFFFFFF  }
0xd2: {  	_ =	task.clear_ibuf [dreg:s14], $0x2FFFF;
	_ =	strace $0x9FFFFFFF  }
0xd3: {  	(tm) =	ssettm $0x7FFFFFFF  }
tec
execute0_lowered:
.L_overlay_start_1:
0x0: {  	(tag) =	ssettag $0x1  }
0x1: {  	s0 =	rddreg [dreg:$0x0]  }
0x2: {  	s23 =	rddreg [dreg:$0x2]  }
0x3: {  	s5 =	rddreg [dreg:$0x4]  }
0x4: {  	s6 =	rddreg [dreg:$0x5];
	s10 =	simm.s32 $0x0  }
0x5: {  	[smem:$0x7FF] =	sst s10;
	s30 =	sadd.s32 $0x1000, s0  }
0x6: {  	s7 =	sadd.s32 $0x1100, s0;
	_ =	strace $0x80000047;
	[dreg:$0xd] =	wrdreg s30  }
0x7: {  	s8 =	sadd.s32 $0x1200, s0;
	[dreg:$0xe] =	wrdreg s7  }
0x8: {  	s9 =	sadd.s32 $0x1300, s0;
	[dreg:$0xf] =	wrdreg s8  }
0x9: {  	s11 =	sadd.s32 $0x1400, s0;
	[dreg:$0x10] =	wrdreg s9  }
0xa: {  	s12 =	sadd.s32 $0x1500, s0;
	[dreg:$0x11] =	wrdreg s11  }
0xb: {  	s13 =	sadd.s32 $0x1600, s0;
	[dreg:$0x12] =	wrdreg s12  }
0xc: {  	s14 =	sadd.s32 $0x1700, s0;
	[dreg:$0x13] =	wrdreg s13  }
0xd: {  	s15 =	sadd.s32 $0x1800, s0;
	[dreg:$0x14] =	wrdreg s14  }
0xe: {  	s16 =	sadd.s32 $0x1900, s0;
	[dreg:$0x15] =	wrdreg s15  }
0xf: {  	s17 =	sadd.s32 $0x1A00, s0;
	[dreg:$0x16] =	wrdreg s16  }
0x10: {  	s0 =	sadd.s32 $0x1B00, s0;
	[dreg:$0x17] =	wrdreg s17  }
0x11: {  	s19 =	sadd.s32 $0x100, s23;
	[dreg:$0x18] =	wrdreg s0  }
0x12: {  	s20 =	sadd.s32 $0x200, s23;
	[dreg:$0x19] =	wrdreg s19  }
0x13: {  	s21 =	sadd.s32 $0x300, s23;
	[dreg:$0x1a] =	wrdreg s20  }
0x14: {  	s1 =	srdreg.scid;
	s22 =	sadd.s32 $0x400, s23;
	[dreg:$0x1b] =	wrdreg s21  }
0x15: {  	s3 =	stileid.u32;
	s24 =	sadd.s32 $0x500, s23;
	[dreg:$0x1c] =	wrdreg s22  }
0x16: {  	s1 =	sand.u32 $0x1, s1;
	s25 =	sadd.s32 $0x600, s23;
	[dreg:$0x1d] =	wrdreg s24  }
0x17: {  	s3 =	sshll.u32 s3, $0x1;
	s26 =	sadd.s32 $0x700, s23;
	[dreg:$0x1e] =	wrdreg s25  }
0x18: {  	s28 =	sadd.s32 $0x800, s23;
	s29 =	sadd.s32 $0x900, s23;
	[dreg:$0x1f] =	wrdreg s26  }
0x19: {  	s2 =	ssub.s32 $0x2, s1;
	s1 =	sor.u32 s1, s3;
	[smem:$0x7FA] =	sst s28  }
0x1a: {  	[smem:$0x7FB] =	sst s29;
	s30 =	sadd.s32 $0xA00, s23;
	s9 =	simm.s32 $0x2  }
0x1b: {  	s25 =	simm.s32 $0x18100;
	s26 =	simm.s32 $0x13100;
	s31 =	sshll.u32 s1, $0x2  }
.Ltmp0:
0x1c: {  	[smem:$0x7FC] =	sst s30;
	s5 =	sadd.s32 s5, s31;
	(pc) =	sbr.rel .LBB2_1-.Ltmp0, $4  }
0x1d: {  	s4 =	sshrl.u32 s2, $0x1;
	s3 =	sadd.s32 s6, s31;
	[dreg:$0xa] =	wrdreg s5  }
0x1e: {  	v2 =	vlaneseq.u32;
	s2 =	ssub.s32 s2, s4;
	s31 =	sadd.s32 $0xB00, s23;
	[dreg:$0xb] =	wrdreg s3  }
0x1f: {  	vm0 =	vmmov $0xffff;
	v1 =	vshrl.u32 v2, $0x3;
	p0 =	sne.s32 s1, $0x0;
	s18 =	smax.u32 s2, $0x1;
	[smem:$0x7FD] =	sst s31  }
0x20: {  	v0 =	vand.u32 $0x7, v2;
	v2 =	vor.u32 $0x8, v2;
	v1 =	vmul.u32 $0x8, v1;
	s4 =	simm.s32 $0x0;
	s5 =	simm.s32 $0x1CF80;
	[dreg:$0xc] =	wrdreg s18  }
.LBB2_7:
0x21: {  	s4 =	sadd.s32 $0x1, s4;
	s13 =	rddreg [dreg:$0xc]  }
0x22: {  	p1 =	sne.s32 s4, s13  }
.Ltmp1:
0x23: {  	_ = 	snop;
	(pc) =	sbr.rel @!p1 .LBB2_8-.Ltmp1, $1  }
0x24: {  	_ =	sdelay $0x3  }
.LBB2_1:
0x25: {  	s0 =	rddreg [dreg:$0xa]  }
0x26: {  	[tilespmem:s10], [sflag:$0x2] =	stream.linear.gather [hbm4b:s0+s10], $0x20, $0x38;
	[tilespmem:$0x1E380] =	vst v63  }
0x27: {  	_ =	swait.ge [sflag:s9], $0x20  }
0x28: {  	[sflag:s9] =	ssyncset.done $0x0  }
0x29: {  	s13 =	simm.s32 $0x80;
	s24 =	rddreg [dreg:$0xb];
	[sflag:s9] =	ssyncadd.s32 $0xFFFFFFE0  }
0x2a: {  	[tilespmem:s13], [sflag:$0x2] =	stream.linear.gather [hbm4b:s24+s10], $0x20, $0x38;
	[tilespmem:$0x1E380] =	vst v63  }
0x2b: {  	_ =	swait.ge [sflag:s9], $0x20  }
0x2c: {  	[sflag:s9] =	ssyncset.done $0x0  }
0x2d: {  	[sflag:s9] =	ssyncadd.s32 $0xFFFFFFE0  }
0x2e: {  	v3 =	vld [tilespmem:$0x80];
	_ =	sdelay $0x4  }
0x2f: {  	v4 =	vshrl.u32 v3, $0x3  }
0x30: {  	v4 =	vmul.u32 $0xC0, v4  }
0x31: {  	v3 =	vand.u32 $0x7, v3  }
0x32: {  	v3 =	vor.u32 v3, v4  }
0x33: {  	v4 =	vperm.xlane v3, v0;
	_ =	sdelay $0x1  }
0x34: {  	v4 =	vadd.s32 v1, v4;
	_ =	sdelay $0x3  }
0x35: {  	s13 =	simm.s32 $0x100;
	s14 =	rddreg [dreg:$0x19]  }
0x36: {  	[tilespmem:s13], [sflag:$0x1] =	stream.indirect_vreg.gather [hbm4b:s23+s10], $0x80, v4, vm0, $0xb8;
	[tilespmem:$0x1E380] =	vst v63  }
0x37: {  	s1 =	simm.s32 $0x900;
	s29 =	rddreg [dreg:$0x1a]  }
0x38: {  	[tilespmem:s1], [sflag:$0x1] =	stream.indirect_vreg.gather [hbm4b:s14+s10], $0x80, v4, vm0, $0xb8;
	[tilespmem:$0x1E380] =	vst v63  }
0x39: {  	s11 =	simm.s32 $0x1100;
	s30 =	rddreg [dreg:$0x1b]  }
0x3a: {  	[tilespmem:s11], [sflag:$0x1] =	stream.indirect_vreg.gather [hbm4b:s29+s10], $0x80, v4, vm0, $0xb8;
	[tilespmem:$0x1E380] =	vst v63  }
0x3b: {  	s15 =	simm.s32 $0x1900;
	s31 =	rddreg [dreg:$0x1c]  }
0x3c: {  	[tilespmem:s15], [sflag:$0x1] =	stream.indirect_vreg.gather [hbm4b:s30+s10], $0x80, v4, vm0, $0xb8;
	[tilespmem:$0x1E380] =	vst v63  }
0x3d: {  	s16 =	simm.s32 $0x2100;
	s2 =	rddreg [dreg:$0x1d]  }
0x3e: {  	[tilespmem:s16], [sflag:$0x1] =	stream.indirect_vreg.gather [hbm4b:s31+s10], $0x80, v4, vm0, $0xb8;
	[tilespmem:$0x1E380] =	vst v63  }
0x3f: {  	s17 =	simm.s32 $0x2900;
	s8 =	rddreg [dreg:$0x1e]  }
0x40: {  	[tilespmem:s17], [sflag:$0x1] =	stream.indirect_vreg.gather [hbm4b:s2+s10], $0x80, v4, vm0, $0xb8;
	[tilespmem:$0x1E380] =	vst v63  }
0x41: {  	s18 =	simm.s32 $0x3100;
	s0 =	rddreg [dreg:$0x1f]  }
0x42: {  	[tilespmem:s18], [sflag:$0x1] =	stream.indirect_vreg.gather [hbm4b:s8+s10], $0x80, v4, vm0, $0xb8;
	[tilespmem:$0x1E380] =	vst v63  }
0x43: {  	s19 =	simm.s32 $0x3900;
	s3 =	sld [smem:$0x7FA]  }
0x44: {  	[tilespmem:s19], [sflag:$0x1] =	stream.indirect_vreg.gather [hbm4b:s0+s10], $0x80, v4, vm0, $0xb8;
	[tilespmem:$0x1E380] =	vst v63  }
0x45: {  	s20 =	simm.s32 $0x4100;
	s6 =	sld [smem:$0x7FB]  }
0x46: {  	[tilespmem:s20], [sflag:$0x1] =	stream.indirect_vreg.gather [hbm4b:s3+s10], $0x80, v4, vm0, $0xb8;
	[tilespmem:$0x1E380] =	vst v63  }
0x47: {  	s21 =	simm.s32 $0x4900;
	s7 =	sld [smem:$0x7FC];
	v3 =	vperm.xlane v3, v2  }
0x48: {  	[tilespmem:s21], [sflag:$0x1] =	stream.indirect_vreg.gather [hbm4b:s6+s10], $0x80, v4, vm0, $0xb8;
	[tilespmem:$0x1E380] =	vst v63  }
0x49: {  	s22 =	simm.s32 $0x5100;
	s12 =	sld [smem:$0x7FD];
	v3 =	vadd.s32 v1, v3  }
0x4a: {  	[tilespmem:s22], [sflag:$0x1] =	stream.indirect_vreg.gather [hbm4b:s7+s10], $0x80, v4, vm0, $0xb8;
	[tilespmem:$0x1E380] =	vst v63  }
0x4b: {  	s24 =	simm.s32 $0x5900  }
0x4c: {  	[tilespmem:s24], [sflag:$0x1] =	stream.indirect_vreg.gather [hbm4b:s12+s10], $0x80, v4, vm0, $0xb8;
	[tilespmem:$0x1E380] =	vst v63  }
0x4d: {  	s28 =	simm.s32 $0x6100  }
0x4e: {  	[tilespmem:s28], [sflag:$0x1] =	stream.indirect_vreg.gather [hbm4b:s23+s10], $0x80, v3, vm0, $0xb8;
	[tilespmem:$0x1E380] =	vst v63  }
0x4f: {  	s28 =	simm.s32 $0x6900  }
0x50: {  	[tilespmem:s28], [sflag:$0x1] =	stream.indirect_vreg.gather [hbm4b:s14+s10], $0x80, v3, vm0, $0xb8;
	[tilespmem:$0x1E380] =	vst v63  }
0x51: {  	s28 =	simm.s32 $0x7100  }
0x52: {  	[tilespmem:s28], [sflag:$0x1] =	stream.indirect_vreg.gather [hbm4b:s29+s10], $0x80, v3, vm0, $0xb8;
	[tilespmem:$0x1E380] =	vst v63  }
0x53: {  	s28 =	simm.s32 $0x7900  }
0x54: {  	[tilespmem:s28], [sflag:$0x1] =	stream.indirect_vreg.gather [hbm4b:s30+s10], $0x80, v3, vm0, $0xb8;
	[tilespmem:$0x1E380] =	vst v63  }
0x55: {  	s28 =	simm.s32 $0x8100  }
0x56: {  	[tilespmem:s28], [sflag:$0x1] =	stream.indirect_vreg.gather [hbm4b:s31+s10], $0x80, v3, vm0, $0xb8;
	[tilespmem:$0x1E380] =	vst v63  }
0x57: {  	s28 =	simm.s32 $0x8900  }
0x58: {  	[tilespmem:s28], [sflag:$0x1] =	stream.indirect_vreg.gather [hbm4b:s2+s10], $0x80, v3, vm0, $0xb8;
	[tilespmem:$0x1E380] =	vst v63  }
0x59: {  	s28 =	simm.s32 $0x9100  }
0x5a: {  	[tilespmem:s28], [sflag:$0x1] =	stream.indirect_vreg.gather [hbm4b:s8+s10], $0x80, v3, vm0, $0xb8;
	[tilespmem:$0x1E380] =	vst v63  }
0x5b: {  	s28 =	simm.s32 $0x9900  }
0x5c: {  	[tilespmem:s28], [sflag:$0x1] =	stream.indirect_vreg.gather [hbm4b:s0+s10], $0x80, v3, vm0, $0xb8;
	[tilespmem:$0x1E380] =	vst v63  }
0x5d: {  	s28 =	simm.s32 $0xA100  }
0x5e: {  	[tilespmem:s28], [sflag:$0x1] =	stream.indirect_vreg.gather [hbm4b:s3+s10], $0x80, v3, vm0, $0xb8;
	[tilespmem:$0x1E380] =	vst v63  }
0x5f: {  	s28 =	simm.s32 $0xA900  }
0x60: {  	[tilespmem:s28], [sflag:$0x1] =	stream.indirect_vreg.gather [hbm4b:s6+s10], $0x80, v3, vm0, $0xb8;
	[tilespmem:$0x1E380] =	vst v63  }
0x61: {  	s28 =	simm.s32 $0xB100  }
0x62: {  	[tilespmem:s28], [sflag:$0x1] =	stream.indirect_vreg.gather [hbm4b:s7+s10], $0x80, v3, vm0, $0xb8;
	[tilespmem:$0x1E380] =	vst v63  }
0x63: {  	s28 =	simm.s32 $0xB900  }
0x64: {  	[tilespmem:s28], [sflag:$0x1] =	stream.indirect_vreg.gather [hbm4b:s12+s10], $0x80, v3, vm0, $0xb8;
	[tilespmem:$0x1E380] =	vst v63  }
0x65: {  	v3 =	vld [tilespmem:$0x90];
	_ =	sdelay $0x4  }
0x66: {  	v61 =	vshrl.u32 v3, $0x3  }
0x67: {  	v4 =	vmul.u32 $0xC0, v61  }
0x68: {  	v3 =	vand.u32 $0x7, v3  }
0x69: {  	v3 =	vor.u32 v3, v4  }
0x6a: {  	v4 =	vperm.xlane v3, v0;
	_ =	sdelay $0x1  }
0x6b: {  	v4 =	vadd.s32 v1, v4;
	_ =	sdelay $0x3  }
0x6c: {  	s28 =	simm.s32 $0xC100  }
0x6d: {  	[tilespmem:s28], [sflag:$0x1] =	stream.indirect_vreg.gather [hbm4b:s23+s10], $0x80, v4, vm0, $0xb8;
	[tilespmem:$0x1E380] =	vst v63  }
0x6e: {  	s28 =	simm.s32 $0xC900  }
0x6f: {  	[tilespmem:s28], [sflag:$0x1] =	stream.indirect_vreg.gather [hbm4b:s14+s10], $0x80, v4, vm0, $0xb8;
	[tilespmem:$0x1E380] =	vst v63  }
0x70: {  	s28 =	simm.s32 $0xD100  }
0x71: {  	[tilespmem:s28], [sflag:$0x1] =	stream.indirect_vreg.gather [hbm4b:s29+s10], $0x80, v4, vm0, $0xb8;
	[tilespmem:$0x1E380] =	vst v63  }
0x72: {  	s28 =	simm.s32 $0xD900  }
0x73: {  	[tilespmem:s28], [sflag:$0x1] =	stream.indirect_vreg.gather [hbm4b:s30+s10], $0x80, v4, vm0, $0xb8;
	[tilespmem:$0x1E380] =	vst v63  }
0x74: {  	s28 =	simm.s32 $0xE100  }
0x75: {  	[tilespmem:s28], [sflag:$0x1] =	stream.indirect_vreg.gather [hbm4b:s31+s10], $0x80, v4, vm0, $0xb8;
	[tilespmem:$0x1E380] =	vst v63  }
0x76: {  	s28 =	simm.s32 $0xE900  }
0x77: {  	[tilespmem:s28], [sflag:$0x1] =	stream.indirect_vreg.gather [hbm4b:s2+s10], $0x80, v4, vm0, $0xb8;
	[tilespmem:$0x1E380] =	vst v63  }
0x78: {  	s28 =	simm.s32 $0xF100  }
0x79: {  	[tilespmem:s28], [sflag:$0x1] =	stream.indirect_vreg.gather [hbm4b:s8+s10], $0x80, v4, vm0, $0xb8;
	[tilespmem:$0x1E380] =	vst v63  }
0x7a: {  	s28 =	simm.s32 $0xF900  }
0x7b: {  	[tilespmem:s28], [sflag:$0x1] =	stream.indirect_vreg.gather [hbm4b:s0+s10], $0x80, v4, vm0, $0xb8;
	[tilespmem:$0x1E380] =	vst v63  }
0x7c: {  	s28 =	simm.s32 $0x10100  }
0x7d: {  	[tilespmem:s28], [sflag:$0x1] =	stream.indirect_vreg.gather [hbm4b:s3+s10], $0x80, v4, vm0, $0xb8;
	[tilespmem:$0x1E380] =	vst v63  }
0x7e: {  	v3 =	vperm.xlane v3, v2;
	s28 =	simm.s32 $0x10900  }
0x7f: {  	[tilespmem:s28], [sflag:$0x1] =	stream.indirect_vreg.gather [hbm4b:s6+s10], $0x80, v4, vm0, $0xb8;
	[tilespmem:$0x1E380] =	vst v63  }
0x80: {  	v3 =	vadd.s32 v1, v3;
	s28 =	simm.s32 $0x11100  }
0x81: {  	[tilespmem:s28], [sflag:$0x1] =	stream.indirect_vreg.gather [hbm4b:s7+s10], $0x80, v4, vm0, $0xb8;
	[tilespmem:$0x1E380] =	vst v63  }
0x82: {  	s28 =	simm.s32 $0x11900  }
0x83: {  	[tilespmem:s28], [sflag:$0x1] =	stream.indirect_vreg.gather [hbm4b:s12+s10], $0x80, v4, vm0, $0xb8;
	[tilespmem:$0x1E380] =	vst v63  }
0x84: {  	s28 =	simm.s32 $0x12100  }
0x85: {  	[tilespmem:s28], [sflag:$0x1] =	stream.indirect_vreg.gather [hbm4b:s23+s10], $0x80, v3, vm0, $0xb8;
	[tilespmem:$0x1E380] =	vst v63  }
0x86: {  	s24 =	simm.s32 $0x12900  }
0x87: {  	[tilespmem:s24], [sflag:$0x1] =	stream.indirect_vreg.gather [hbm4b:s14+s10], $0x80, v3, vm0, $0xb8;
	[tilespmem:$0x1E380] =	vst v63  }
0x88: {  	_ = 	snop  }
0x89: {  	[tilespmem:s26], [sflag:$0x1] =	stream.indirect_vreg.gather [hbm4b:s29+s10], $0x80, v3, vm0, $0xb8;
	[tilespmem:$0x1E380] =	vst v63  }
0x8a: {  	s29 =	simm.s32 $0x13900  }
0x8b: {  	[tilespmem:s29], [sflag:$0x1] =	stream.indirect_vreg.gather [hbm4b:s30+s10], $0x80, v3, vm0, $0xb8;
	[tilespmem:$0x1E380] =	vst v63  }
0x8c: {  	s30 =	simm.s32 $0x14100  }
0x8d: {  	[tilespmem:s30], [sflag:$0x1] =	stream.indirect_vreg.gather [hbm4b:s31+s10], $0x80, v3, vm0, $0xb8;
	[tilespmem:$0x1E380] =	vst v63  }
0x8e: {  	s31 =	simm.s32 $0x14900  }
0x8f: {  	[tilespmem:s31], [sflag:$0x1] =	stream.indirect_vreg.gather [hbm4b:s2+s10], $0x80, v3, vm0, $0xb8;
	[tilespmem:$0x1E380] =	vst v63  }
0x90: {  	s2 =	simm.s32 $0x15100  }
0x91: {  	[tilespmem:s2], [sflag:$0x1] =	stream.indirect_vreg.gather [hbm4b:s8+s10], $0x80, v3, vm0, $0xb8;
	[tilespmem:$0x1E380] =	vst v63  }
0x92: {  	s8 =	simm.s32 $0x15900  }
0x93: {  	[tilespmem:s8], [sflag:$0x1] =	stream.indirect_vreg.gather [hbm4b:s0+s10], $0x80, v3, vm0, $0xb8;
	[tilespmem:$0x1E380] =	vst v63  }
0x94: {  	s0 =	simm.s32 $0x16100  }
0x95: {  	[tilespmem:s0], [sflag:$0x1] =	stream.indirect_vreg.gather [hbm4b:s3+s10], $0x80, v3, vm0, $0xb8;
	[tilespmem:$0x1E380] =	vst v63  }
0x96: {  	s3 =	simm.s32 $0x16900  }
0x97: {  	[tilespmem:s3], [sflag:$0x1] =	stream.indirect_vreg.gather [hbm4b:s6+s10], $0x80, v3, vm0, $0xb8;
	[tilespmem:$0x1E380] =	vst v63  }
0x98: {  	s6 =	simm.s32 $0x17100  }
0x99: {  	[tilespmem:s6], [sflag:$0x1] =	stream.indirect_vreg.gather [hbm4b:s7+s10], $0x80, v3, vm0, $0xb8;
	[tilespmem:$0x1E380] =	vst v63  }
0x9a: {  	s7 =	simm.s32 $0x17900  }
0x9b: {  	[tilespmem:s7], [sflag:$0x1] =	stream.indirect_vreg.gather [hbm4b:s12+s10], $0x80, v3, vm0, $0xb8;
	[tilespmem:$0x1E380] =	vst v63  }
0x9c: {  	s12 =	simm.s32 $0x1  }
0x9d: {  	_ =	swait.ge [sflag:s12], $0x18000  }
0x9e: {  	[sflag:s12] =	ssyncset.done $0x0  }
0x9f: {  	[sflag:s12] =	ssyncadd.s32 $0xFFFE8000  }
0xa0: {  	v3 =	vld [tilespmem:$0x0];
	_ =	sdelay $0x4  }
0xa1: {  	v62 =	vshrl.u32 v3, $0x3  }
0xa2: {  	v4 =	vmul.u32 $0xC0, v62  }
0xa3: {  	v3 =	vand.u32 $0x7, v3  }
0xa4: {  	v3 =	vor.u32 v3, v4  }
0xa5: {  	v4 =	vperm.xlane v3, v0;
	_ =	sdelay $0x1  }
0xa6: {  	v4 =	vadd.s32 v1, v4;
	_ =	sdelay $0x3  }
0xa7: {  	s14 =	rddreg [dreg:$0xd]  }
0xa8: {  	[hbm4b:s14+s10] =	stream.indirect_vreg.scatter [tilespmem:s13], [sflag:$0x1], $0x80, v4, vm0, $0xb8;
	[tilespmem:$0x1E380] =	vst v63  }
0xa9: {  	s13 =	rddreg [dreg:$0xe]  }
0xaa: {  	[hbm4b:s13+s10] =	stream.indirect_vreg.scatter [tilespmem:s1], [sflag:$0x1], $0x80, v4, vm0, $0xb8;
	[tilespmem:$0x1E380] =	vst v63  }
0xab: {  	s1 =	rddreg [dreg:$0xf]  }
0xac: {  	[hbm4b:s1+s10] =	stream.indirect_vreg.scatter [tilespmem:s11], [sflag:$0x1], $0x80, v4, vm0, $0xb8;
	[tilespmem:$0x1E380] =	vst v63  }
0xad: {  	s11 =	rddreg [dreg:$0x10]  }
0xae: {  	[hbm4b:s11+s10] =	stream.indirect_vreg.scatter [tilespmem:s15], [sflag:$0x1], $0x80, v4, vm0, $0xb8;
	[tilespmem:$0x1E380] =	vst v63  }
0xaf: {  	s15 =	rddreg [dreg:$0x11]  }
0xb0: {  	[hbm4b:s15+s10] =	stream.indirect_vreg.scatter [tilespmem:s16], [sflag:$0x1], $0x80, v4, vm0, $0xb8;
	[tilespmem:$0x1E380] =	vst v63  }
0xb1: {  	s16 =	rddreg [dreg:$0x12]  }
0xb2: {  	[hbm4b:s16+s10] =	stream.indirect_vreg.scatter [tilespmem:s17], [sflag:$0x1], $0x80, v4, vm0, $0xb8;
	[tilespmem:$0x1E380] =	vst v63  }
0xb3: {  	s17 =	rddreg [dreg:$0x13]  }
0xb4: {  	[hbm4b:s17+s10] =	stream.indirect_vreg.scatter [tilespmem:s18], [sflag:$0x1], $0x80, v4, vm0, $0xb8;
	[tilespmem:$0x1E380] =	vst v63  }
0xb5: {  	s18 =	rddreg [dreg:$0x14]  }
0xb6: {  	[hbm4b:s18+s10] =	stream.indirect_vreg.scatter [tilespmem:s19], [sflag:$0x1], $0x80, v4, vm0, $0xb8;
	[tilespmem:$0x1E380] =	vst v63  }
0xb7: {  	s19 =	rddreg [dreg:$0x15]  }
0xb8: {  	[hbm4b:s19+s10] =	stream.indirect_vreg.scatter [tilespmem:s20], [sflag:$0x1], $0x80, v4, vm0, $0xb8;
	[tilespmem:$0x1E380] =	vst v63  }
0xb9: {  	v3 =	vperm.xlane v3, v2;
	s20 =	rddreg [dreg:$0x16]  }
0xba: {  	[hbm4b:s20+s10] =	stream.indirect_vreg.scatter [tilespmem:s21], [sflag:$0x1], $0x80, v4, vm0, $0xb8;
	[tilespmem:$0x1E380] =	vst v63  }
0xbb: {  	v3 =	vadd.s32 v1, v3;
	s21 =	rddreg [dreg:$0x17]  }
0xbc: {  	[hbm4b:s21+s10] =	stream.indirect_vreg.scatter [tilespmem:s22], [sflag:$0x1], $0x80, v4, vm0, $0xb8;
	[tilespmem:$0x1E380] =	vst v63  }
0xbd: {  	s28 =	simm.s32 $0x5900;
	s22 =	rddreg [dreg:$0x18]  }
0xbe: {  	[hbm4b:s22+s10] =	stream.indirect_vreg.scatter [tilespmem:s28], [sflag:$0x1], $0x80, v4, vm0, $0xb8;
	[tilespmem:$0x1E380] =	vst v63  }
0xbf: {  	s28 =	simm.s32 $0x6100  }
0xc0: {  	[hbm4b:s14+s10] =	stream.indirect_vreg.scatter [tilespmem:s28], [sflag:$0x1], $0x80, v3, vm0, $0xb8;
	[tilespmem:$0x1E380] =	vst v63  }
0xc1: {  	s28 =	simm.s32 $0x6900  }
0xc2: {  	[hbm4b:s13+s10] =	stream.indirect_vreg.scatter [tilespmem:s28], [sflag:$0x1], $0x80, v3, vm0, $0xb8;
	[tilespmem:$0x1E380] =	vst v63  }
0xc3: {  	s28 =	simm.s32 $0x7100  }
0xc4: {  	[hbm4b:s1+s10] =	stream.indirect_vreg.scatter [tilespmem:s28], [sflag:$0x1], $0x80, v3, vm0, $0xb8;
	[tilespmem:$0x1E380] =	vst v63  }
0xc5: {  	s28 =	simm.s32 $0x7900  }
0xc6: {  	[hbm4b:s11+s10] =	stream.indirect_vreg.scatter [tilespmem:s28], [sflag:$0x1], $0x80, v3, vm0, $0xb8;
	[tilespmem:$0x1E380] =	vst v63  }
0xc7: {  	s28 =	simm.s32 $0x8100  }
0xc8: {  	[hbm4b:s15+s10] =	stream.indirect_vreg.scatter [tilespmem:s28], [sflag:$0x1], $0x80, v3, vm0, $0xb8;
	[tilespmem:$0x1E380] =	vst v63  }
0xc9: {  	s28 =	simm.s32 $0x8900  }
0xca: {  	[hbm4b:s16+s10] =	stream.indirect_vreg.scatter [tilespmem:s28], [sflag:$0x1], $0x80, v3, vm0, $0xb8;
	[tilespmem:$0x1E380] =	vst v63  }
0xcb: {  	s28 =	simm.s32 $0x9100  }
0xcc: {  	[hbm4b:s17+s10] =	stream.indirect_vreg.scatter [tilespmem:s28], [sflag:$0x1], $0x80, v3, vm0, $0xb8;
	[tilespmem:$0x1E380] =	vst v63  }
0xcd: {  	s28 =	simm.s32 $0x9900  }
0xce: {  	[hbm4b:s18+s10] =	stream.indirect_vreg.scatter [tilespmem:s28], [sflag:$0x1], $0x80, v3, vm0, $0xb8;
	[tilespmem:$0x1E380] =	vst v63  }
0xcf: {  	s28 =	simm.s32 $0xA100  }
0xd0: {  	[hbm4b:s19+s10] =	stream.indirect_vreg.scatter [tilespmem:s28], [sflag:$0x1], $0x80, v3, vm0, $0xb8;
	[tilespmem:$0x1E380] =	vst v63  }
0xd1: {  	s28 =	simm.s32 $0xA900  }
0xd2: {  	[hbm4b:s20+s10] =	stream.indirect_vreg.scatter [tilespmem:s28], [sflag:$0x1], $0x80, v3, vm0, $0xb8;
	[tilespmem:$0x1E380] =	vst v63  }
0xd3: {  	s28 =	simm.s32 $0xB100  }
0xd4: {  	[hbm4b:s21+s10] =	stream.indirect_vreg.scatter [tilespmem:s28], [sflag:$0x1], $0x80, v3, vm0, $0xb8;
	[tilespmem:$0x1E380] =	vst v63  }
0xd5: {  	s28 =	simm.s32 $0xB900  }
0xd6: {  	[hbm4b:s22+s10] =	stream.indirect_vreg.scatter [tilespmem:s28], [sflag:$0x1], $0x80, v3, vm0, $0xb8;
	[tilespmem:$0x1E380] =	vst v63  }
0xd7: {  	v3 =	vld [tilespmem:$0x10];
	_ =	sdelay $0x4  }
0xd8: {  	v63 =	vshrl.u32 v3, $0x3  }
0xd9: {  	v4 =	vmul.u32 $0xC0, v63  }
0xda: {  	v3 =	vand.u32 $0x7, v3  }
0xdb: {  	v3 =	vor.u32 v3, v4  }
0xdc: {  	v4 =	vperm.xlane v3, v0;
	_ =	sdelay $0x1  }
0xdd: {  	v4 =	vadd.s32 v1, v4;
	_ =	sdelay $0x3  }
0xde: {  	s28 =	simm.s32 $0xC100  }
0xdf: {  	[hbm4b:s14+s10] =	stream.indirect_vreg.scatter [tilespmem:s28], [sflag:$0x1], $0x80, v4, vm0, $0xb8;
	[tilespmem:$0x1E380] =	vst v63  }
0xe0: {  	s28 =	simm.s32 $0xC900  }
0xe1: {  	[hbm4b:s13+s10] =	stream.indirect_vreg.scatter [tilespmem:s28], [sflag:$0x1], $0x80, v4, vm0, $0xb8;
	[tilespmem:$0x1E380] =	vst v63  }
0xe2: {  	s28 =	simm.s32 $0xD100  }
0xe3: {  	[hbm4b:s1+s10] =	stream.indirect_vreg.scatter [tilespmem:s28], [sflag:$0x1], $0x80, v4, vm0, $0xb8;
	[tilespmem:$0x1E380] =	vst v63  }
0xe4: {  	s28 =	simm.s32 $0xD900  }
0xe5: {  	[hbm4b:s11+s10] =	stream.indirect_vreg.scatter [tilespmem:s28], [sflag:$0x1], $0x80, v4, vm0, $0xb8;
	[tilespmem:$0x1E380] =	vst v63  }
0xe6: {  	s28 =	simm.s32 $0xE100  }
0xe7: {  	[hbm4b:s15+s10] =	stream.indirect_vreg.scatter [tilespmem:s28], [sflag:$0x1], $0x80, v4, vm0, $0xb8;
	[tilespmem:$0x1E380] =	vst v63  }
0xe8: {  	s28 =	simm.s32 $0xE900  }
0xe9: {  	[hbm4b:s16+s10] =	stream.indirect_vreg.scatter [tilespmem:s28], [sflag:$0x1], $0x80, v4, vm0, $0xb8;
	[tilespmem:$0x1E380] =	vst v63  }
0xea: {  	s28 =	simm.s32 $0xF100  }
0xeb: {  	[hbm4b:s17+s10] =	stream.indirect_vreg.scatter [tilespmem:s28], [sflag:$0x1], $0x80, v4, vm0, $0xb8;
	[tilespmem:$0x1E380] =	vst v63  }
0xec: {  	s28 =	simm.s32 $0xF900  }
0xed: {  	[hbm4b:s18+s10] =	stream.indirect_vreg.scatter [tilespmem:s28], [sflag:$0x1], $0x80, v4, vm0, $0xb8;
	[tilespmem:$0x1E380] =	vst v63  }
0xee: {  	s28 =	simm.s32 $0x10100  }
0xef: {  	[hbm4b:s19+s10] =	stream.indirect_vreg.scatter [tilespmem:s28], [sflag:$0x1], $0x80, v4, vm0, $0xb8;
	[tilespmem:$0x1E380] =	vst v63  }
0xf0: {  	v3 =	vperm.xlane v3, v2;
	s28 =	simm.s32 $0x10900  }
0xf1: {  	[hbm4b:s20+s10] =	stream.indirect_vreg.scatter [tilespmem:s28], [sflag:$0x1], $0x80, v4, vm0, $0xb8;
	[tilespmem:$0x1E380] =	vst v63  }
0xf2: {  	v3 =	vadd.s32 v1, v3;
	s28 =	simm.s32 $0x11100  }
0xf3: {  	[hbm4b:s21+s10] =	stream.indirect_vreg.scatter [tilespmem:s28], [sflag:$0x1], $0x80, v4, vm0, $0xb8;
	[tilespmem:$0x1E380] =	vst v63  }
0xf4: {  	s28 =	simm.s32 $0x11900  }
0xf5: {  	[hbm4b:s22+s10] =	stream.indirect_vreg.scatter [tilespmem:s28], [sflag:$0x1], $0x80, v4, vm0, $0xb8;
	[tilespmem:$0x1E380] =	vst v63  }
0xf6: {  	s28 =	simm.s32 $0x12100  }
0xf7: {  	[hbm4b:s14+s10] =	stream.indirect_vreg.scatter [tilespmem:s28], [sflag:$0x1], $0x80, v3, vm0, $0xb8;
	[tilespmem:$0x1E380] =	vst v63  }
0xf8: {  	_ = 	snop  }
0xf9: {  	[hbm4b:s13+s10] =	stream.indirect_vreg.scatter [tilespmem:s24], [sflag:$0x1], $0x80, v3, vm0, $0xb8;
	[tilespmem:$0x1E380] =	vst v63  }
0xfa: {  	_ = 	snop  }
0xfb: {  	[hbm4b:s1+s10] =	stream.indirect_vreg.scatter [tilespmem:s26], [sflag:$0x1], $0x80, v3, vm0, $0xb8;
	[tilespmem:$0x1E380] =	vst v63  }
0xfc: {  	_ = 	snop  }
0xfd: {  	[hbm4b:s11+s10] =	stream.indirect_vreg.scatter [tilespmem:s29], [sflag:$0x1], $0x80, v3, vm0, $0xb8;
	[tilespmem:$0x1E380] =	vst v63  }
0xfe: {  	_ = 	snop  }
0xff: {  	[hbm4b:s15+s10] =	stream.indirect_vreg.scatter [tilespmem:s30], [sflag:$0x1], $0x80, v3, vm0, $0xb8;
	[tilespmem:$0x1E380] =	vst v63  }
0x100: {  	_ = 	snop  }
0x101: {  	[hbm4b:s16+s10] =	stream.indirect_vreg.scatter [tilespmem:s31], [sflag:$0x1], $0x80, v3, vm0, $0xb8;
	[tilespmem:$0x1E380] =	vst v63  }
0x102: {  	_ = 	snop  }
0x103: {  	[hbm4b:s17+s10] =	stream.indirect_vreg.scatter [tilespmem:s2], [sflag:$0x1], $0x80, v3, vm0, $0xb8;
	[tilespmem:$0x1E380] =	vst v63  }
0x104: {  	_ = 	snop  }
0x105: {  	[hbm4b:s18+s10] =	stream.indirect_vreg.scatter [tilespmem:s8], [sflag:$0x1], $0x80, v3, vm0, $0xb8;
	[tilespmem:$0x1E380] =	vst v63  }
0x106: {  	_ = 	snop  }
0x107: {  	[hbm4b:s19+s10] =	stream.indirect_vreg.scatter [tilespmem:s0], [sflag:$0x1], $0x80, v3, vm0, $0xb8;
	[tilespmem:$0x1E380] =	vst v63  }
0x108: {  	_ = 	snop  }
0x109: {  	[hbm4b:s20+s10] =	stream.indirect_vreg.scatter [tilespmem:s3], [sflag:$0x1], $0x80, v3, vm0, $0xb8;
	[tilespmem:$0x1E380] =	vst v63  }
0x10a: {  	_ = 	snop  }
0x10b: {  	[hbm4b:s21+s10] =	stream.indirect_vreg.scatter [tilespmem:s6], [sflag:$0x1], $0x80, v3, vm0, $0xb8;
	[tilespmem:$0x1E380] =	vst v63  }
.Ltmp2:
0x10c: {  	_ = 	snop;
	(pc) =	sbr.rel @p0 .LBB2_7-.Ltmp2, $4  }
0x10d: {  	[hbm4b:s22+s10] =	stream.indirect_vreg.scatter [tilespmem:s7], [sflag:$0x1], $0x80, v3, vm0, $0xb8;
	[tilespmem:$0x1E380] =	vst v63  }
0x10e: {  	_ =	swait.ge [sflag:s12], $0x18000  }
0x10f: {  	[sflag:s12] =	ssyncset.done $0x0  }
0x110: {  	[sflag:s12] =	ssyncadd.s32 $0xFFFE8000  }
0x111: {  	s1 =	simm.s32 $0x0;
	s12 =	rddreg [dreg:$0x1]  }
0x112: {  	[tilespmem:s25], [sflag:$0x2] =	stream.linear.gather [hbm4b:s12+s1], $0x4E80, $0x38;
	[tilespmem:$0x1E380] =	vst v63  }
0x113: {  	_ =	swait.ge [sflag:s9], $0x4E80  }
0x114: {  	[sflag:s9] =	ssyncset.done $0x0  }
0x115: {  	[sflag:s9] =	ssyncadd.s32 $0xFFFFB180  }
0x116: {  	s23 =	rddreg [dreg:$0x3]  }
0x117: {  	[tilespmem:s5], [sflag:$0x2] =	stream.linear.gather [hbm4b:s23+s1], $0x400, $0x38;
	[tilespmem:$0x1E380] =	vst v63  }
0x118: {  	_ =	swait.ge [sflag:s9], $0x400  }
0x119: {  	[sflag:s9] =	ssyncset.done $0x0  }
0x11a: {  	[sflag:s9] =	ssyncadd.s32 $0xFFFFFC00  }
0x11b: {  	s0 =	simm.s32 $0x1D380;
	s24 =	rddreg [dreg:$0x4]  }
0x11c: {  	[tilespmem:s0], [sflag:$0x2] =	stream.linear.gather [hbm4b:s24+s1], $0x400, $0x38;
	[tilespmem:$0x1E380] =	vst v63  }
0x11d: {  	_ =	swait.ge [sflag:s9], $0x400  }
0x11e: {  	[sflag:s9] =	ssyncset.done $0x0  }
0x11f: {  	[sflag:s9] =	ssyncadd.s32 $0xFFFFFC00  }
0x120: {  	s29 =	simm.s32 $0x1D780;
	s28 =	rddreg [dreg:$0x5]  }
0x121: {  	[tilespmem:s29], [sflag:$0x2] =	stream.linear.gather [hbm4b:s28+s1], $0x400, $0x38;
	[tilespmem:$0x1E380] =	vst v63  }
0x122: {  	_ =	swait.ge [sflag:s9], $0x400  }
0x123: {  	[sflag:s9] =	ssyncset.done $0x0  }
0x124: {  	[sflag:s9] =	ssyncadd.s32 $0xFFFFFC00  }
0x125: {  	s31 =	simm.s32 $0x1DB80;
	s30 =	rddreg [dreg:$0x6]  }
0x126: {  	[tilespmem:s31], [sflag:$0x2] =	stream.linear.gather [hbm4b:s30+s1], $0x400, $0x38;
	[tilespmem:$0x1E380] =	vst v63  }
0x127: {  	_ =	swait.ge [sflag:s9], $0x400  }
0x128: {  	[sflag:s9] =	ssyncset.done $0x0  }
0x129: {  	s12 =	simm.s32 $0x40;
	s1 =	simm.s32 $0x0;
	[sflag:s9] =	ssyncadd.s32 $0xFFFFFC00  }
.LBB2_3:
0x12a: {  	p1 =	sne.s32 s12, $0xFC0;
	v3 =	vld [tilespmem:s1+$0x1D780];
	_ =	sdelay $0x5  }
0x12b: {  	v4 =	vld [tilespmem:s1+$0x1D380];
	_ =	sdelay $0x1  }
0x12c: {  	v3 =	vld.idx.msk [tilespmem:v3+s5+$0x0], $0xffff;
	_ =	sdelay $0x1  }
.Ltmp3:
0x12d: {  	(pc) =	sbr.rel @p1 .LBB2_3-.Ltmp3, $2  }
0x12e: {  	_ =	sdelay $0x2  }
0x12f: {  	s1 =	sshra.s32 s12, $0x2;
	s12 =	sadd.s32 $0x40, s12;
	[tilespmem:v4+s25+$0x0] =	vst.idx.msk $0xffff, v3  }
0x130: {  	v3 =	vld [tilespmem:s1+$0x1D780];
	_ =	sdelay $0x4  }
0x131: {  	v4 =	vld [tilespmem:s1+$0x1D380];
	_ =	sdelay $0x2  }
0x132: {  	v3 =	vld.idx.msk [tilespmem:v3+s5+$0x0], $0xffff;
	_ =	sdelay $0x4  }
0x133: {  	s12 =	simm.s32 $0x0;
	[tilespmem:v4+s25+$0x0] =	vst.idx.msk $0xffff, v3  }
0x134: {  	v3 =	vld [tilespmem:s12+$0x1DB80];
	_ =	sdelay $0x7  }
0x135: {  	s1 =	simm.s32 $0x10;
	s13 =	simm.s32 $0x80;
	v3 =	vld.idx.msk [tilespmem:v3+s25+$0x0], $0xffff  }
.LBB2_5:
0x136: {  	p1 =	sne.s32 s13, $0xFC0;
	v4 =	vld [tilespmem:s1+$0x1DB80];
	_ =	sdelay $0x3  }
.Ltmp4:
0x137: {  	(pc) =	sbr.rel @p1 .LBB2_5-.Ltmp4, $2  }
0x138: {  	[tilespmem:s12+$0x1DF80] =	vst v3;
	s12 =	smov.u32 s1;
	_ =	sdelay $0x2  }
0x139: {  	s1 =	sshra.s32 s13, $0x2;
	s13 =	sadd.s32 $0x40, s13;
	v3 =	vld.idx.msk [tilespmem:v4+s25+$0x0], $0xffff  }
0x13a: {  	v4 =	vld [tilespmem:s1+$0x1DB80];
	_ =	sdelay $0x6  }
0x13b: {  	[tilespmem:s12+$0x1DF80] =	vst v3  }
0x13c: {  	v3 =	vld.idx.msk [tilespmem:v4+s25+$0x0], $0xffff;
	_ =	sdelay $0x4  }
0x13d: {  	s30 =	rddreg [dreg:$0x7];
	[tilespmem:s1+$0x1DF80] =	vst v3  }
0x13e: {  	[hbm4b:s30+s10] =	stream.linear.scatter [tilespmem:s25], [sflag:$0x2], $0x4E80, $0x38;
	[tilespmem:$0x1E380] =	vst v63  }
0x13f: {  	_ =	swait.ge [sflag:s9], $0x4E80  }
0x140: {  	[sflag:s9] =	ssyncset.done $0x0  }
0x141: {  	[sflag:s9] =	ssyncadd.s32 $0xFFFFB180  }
0x142: {  	s0 =	simm.s32 $0x1DF80;
	s31 =	rddreg [dreg:$0x8]  }
0x143: {  	[hbm4b:s31+s10] =	stream.linear.scatter [tilespmem:s0], [sflag:$0x2], $0x400, $0x38;
	[tilespmem:$0x1E380] =	vst v63  }
.Ltmp5:
0x144: {  	_ = 	snop;
	(pc) =	sbr.rel .LBB2_7-.Ltmp5, $4  }
0x145: {  	_ =	swait.ge [sflag:s9], $0x400  }
0x146: {  	[sflag:s9] =	ssyncset.done $0x0  }
0x147: {  	[sflag:s9] =	ssyncadd.s32 $0xFFFFFC00  }
0x148: {  	s23 =	rddreg [dreg:$0x2]  }
.LBB2_8:
0x149: {  	_ =	sfence.sel $0x180000  }
0x14a: {  	[bflag:$0x0] =	sbarrier.arrive $0xFFFF  }
0x14b: {  	_ =	strace $0x90000047  }
0x14c: {  	s0 =	stileid.u32;
	[bflag:$0x2] =	sbarrier.arrive $0xFFFF  }
0x14d: {  	p0 =	sne.s32 s0, $0x0;
	s0 =	rddreg [dreg:$0x9]  }
0x14e: {  	s0 =	sadd.s32 @!p0 $0x100000, s0  }
0x14f: {  	[sflag:s0] =	ssyncadd.tile.s32 @!p0 $0x1;
	_ =	shalt  }
.Lfunc_end2:
_tile_overlayer_lowered:
.L_overlay_start_2:
0x150: {  	(tag) =	ssettag $0x2  }
0x151: {  	s0 =	rddreg [dreg:$0x0];
	s2 =	stileid.u32  }
0x152: {  	s1 =	rddreg [dreg:$0x1];
	p0 =	sne.s32 s2, $0x0  }
0x153: {  	s3 =	rddreg [dreg:$0x2];
	[bflag:$0x3] =	sbarrier.arrive $0xFFFF;
	s2 =	simm.s32 @!p0 $0x1C02  }
0x154: {  	[timem:s3], [sflag:s2] =	dma.local @!p0 [hbm:s0], s1  }
0x155: {  	s0 =	simm.s32 @!p0 $0x2  }
0x156: {  	_ =	swait.ge @!p0 [sflag:s0], s1  }
0x157: {  	s1 =	ssub.s32 @!p0 $0x0, s1;
	[sflag:s0] =	ssyncset.done @!p0 $0x0  }
0x158: {  	[sflag:s0] =	ssyncadd.s32 @!p0 s1  }
0x159: {  	[bflag:$0x3] =	sbarrier.arrive $0xFFFF  }
0x15a: {  	_ =	shalt  }

// kernel: kernel.8.cloned.1.call-start
scs
__scs_entry_jumppad:
0x0: {  	(pc) =	sbr.rel $0x88, $3  }
0x1: {  	(tag) =	ssettag $0x0;
	lr =	simm.s32 $0x1  }
0x2: {  	[smem:$0x3F9B] =	sst lr;
	_ =	strace $0xD0000000  }
0x3: {  	_ = 	snop  }
0x4: {  	_ = 	snop  }
0x5: {  	_ = 	snop  }
0x6: {  	_ = 	snop  }
0x7: {  	_ = 	snop  }
__scs_overlays_trampoline_lowered:
0x8: {  	[smem:$0x3FAA] =	sst s0  }
0x9: {  	[smem:$0x3FAB] =	sst s1  }
0xa: {  	[smem:$0x3FAC] =	sst s2  }
0xb: {  	[smem:$0x3FAD] =	sst s3  }
0xc: {  	[smem:$0x3FAE] =	sst s4  }
0xd: {  	[smem:$0x3FAF] =	sst s5  }
0xe: {  	[smem:$0x3FB0] =	sst s6  }
0xf: {  	[smem:$0x3FB1] =	sst s7  }
0x10: {  	[smem:$0x3FB2] =	sst s8  }
0x11: {  	[smem:$0x3FB3] =	sst s9;
	s0 =	simm.s32 @!p0 $0x0  }
0x12: {  	s1 =	sld [smem:$0x3F99];
	s0 =	simm.s32 @p0 $0x1  }
0x13: {  	[smem:$0x3FB4] =	sst s0;
	s0 =	simm.s32 @!p1 $0x0  }
0x14: {  	s2 =	sld [smem:$0x3F98];
	s0 =	simm.s32 @p1 $0x1  }
0x15: {  	[smem:$0x3FB5] =	sst s0;
	s0 =	simm.s32 @!p2 $0x0  }
0x16: {  	s3 =	sld [smem:$0x3FDB];
	s0 =	simm.s32 @p2 $0x1  }
0x17: {  	s4 =	simm.s32 $0x1BF5;
	[smem:$0x3FB7] =	sst s0  }
0x18: {  	s0 =	sld [smem:$0x3F9A];
	_ =	swait.ge [sflag:s4], $0x0  }
0x19: {  	s7 =	sld [smem:$0x3F9B]  }
0x1a: {  	s8 =	sadd.s32 $0xFFFFE003, lr  }
0x1b: {  	s9 =	sadd.s32 $0xFFFFFEF7, lr;
	s5 =	simm.s32 $0xFFFFFFFF;
	p2 =	slt.u32 s8, $0xFFFFF086  }
0x1c: {  	p1 =	slt.u32 s9, $0xF7A;
	s5 =	simm.s32 @!p2 $0x0  }
0x1d: {  	s5 =	simm.s32 @p1 $0x1;
	p0 =	seq.s32 s7, s2  }
0x1e: {  	s7 =	smul.u32 @!p0 $0xF7A, s2;
	p2 =	seq.s32 @!p0 s5, $0x0  }
0x1f: {  	s9 =	smul.u32 $0xF7A, s1;
	s8 =	simm.s32 @!p0 $0x1BF5;
	p2 =	por !p2, p0  }
0x20: {  	[sflag:s8] =	ssyncset.s32 @!p0 $0xFFFFF086;
	s6 =	sadd.s32 @!p0 s3, s7;
	s7 =	simm.s32 @!p0 $0x108  }
0x21: {  	s3 =	sadd.s32 s3, s9;
	s6 =	sadd.s32 @!p0 $0x88, s6;
	s7 =	simm.s32 @p2 $0x1082  }
0x22: {  	[simem:s7], [sflag:s8] =	dma.local @!p0 [hbm:s6], $0xF7A  }
0x23: {  	s9 =	sor.u32 $0xD0000000, s2;
	s6 =	simm.s32 $0x108;
	_ =	swait.ge @!p0 [sflag:s8], $0x0  }
0x24: {  	s3 =	sadd.s32 $0x88, s3;
	s6 =	simm.s32 @!p1 $0x1082;
	[sflag:s4] =	ssyncset.s32 $0xFFFFF086  }
0x25: {  	[simem:s6], [sflag:s4] =	dma.local [hbm:s3], $0xF7A  }
0x26: {  	[smem:$0x3F9B] =	sst s1;
	(tag) =	ssettag s2;
	_ =	strace s9  }
0x27: {  	s1 =	sld [smem:$0x3FAB]  }
0x28: {  	s2 =	sld [smem:$0x3FAC]  }
0x29: {  	s4 =	sld [smem:$0x3FAE]  }
0x2a: {  	p0 =	seq.s32 s5, $0x0;
	s5 =	sld [smem:$0x3FAF]  }
0x2b: {  	s6 =	sld [smem:$0x3FB0]  }
0x2c: {  	s7 =	sld [smem:$0x3FB1]  }
0x2d: {  	s3 =	simm.s32 $0x108;
	s8 =	sld [smem:$0x3FB2]  }
0x2e: {  	s3 =	simm.s32 @!p0 $0x1082;
	s9 =	sld [smem:$0x3FB3]  }
0x2f: {  	lr =	sadd.s32 s0, s3;
	s0 =	sld [smem:$0x3FAA]  }
0x30: {  	s3 =	sld [smem:$0x3FAD]  }
0x31: {  	[smem:$0x3FB6] =	sst s10  }
0x32: {  	s10 =	sld [smem:$0x3FB4];
	_ =	sdelay $0x3  }
0x33: {  	p0 =	seq.s32 s10, $0x1;
	s10 =	sld [smem:$0x3FB6];
	_ =	sdelay $0x3  }
0x34: {  	[smem:$0x3FB6] =	sst s10  }
0x35: {  	s10 =	sld [smem:$0x3FB5];
	_ =	sdelay $0x3  }
0x36: {  	p1 =	seq.s32 s10, $0x1;
	s10 =	sld [smem:$0x3FB6];
	_ =	sdelay $0x3  }
0x37: {  	[smem:$0x3FB6] =	sst s10  }
0x38: {  	s10 =	sld [smem:$0x3FB7]  }
0x39: {  	_ = 	snop;
	(pc) =	sbr.ind lr, $3  }
0x3a: {  	_ = 	snop  }
0x3b: {  	_ = 	snop  }
0x3c: {  	p2 =	seq.s32 s10, $0x1;
	s10 =	sld [smem:$0x3FB6]  }
0x3d: {  	_ =	shalt  }
0x3e: {  	_ =	shalt  }
0x3f: {  	_ =	shalt  }
0x40: {  	_ =	shalt  }
0x41: {  	_ =	shalt  }
0x42: {  	_ =	shalt  }
0x43: {  	_ =	shalt  }
0x44: {  	_ =	shalt  }
0x45: {  	_ =	shalt  }
0x46: {  	_ =	shalt  }
0x47: {  	_ =	shalt  }
0x48: {  	_ =	shalt  }
0x49: {  	_ =	shalt  }
0x4a: {  	_ =	shalt  }
0x4b: {  	_ =	shalt  }
0x4c: {  	_ =	shalt  }
0x4d: {  	_ =	shalt  }
0x4e: {  	_ =	shalt  }
0x4f: {  	_ =	shalt  }
0x50: {  	_ =	shalt  }
0x51: {  	_ =	shalt  }
0x52: {  	_ =	shalt  }
0x53: {  	_ =	shalt  }
0x54: {  	_ =	shalt  }
0x55: {  	_ =	shalt  }
0x56: {  	_ =	shalt  }
0x57: {  	_ =	shalt  }
0x58: {  	_ =	shalt  }
0x59: {  	_ =	shalt  }
0x5a: {  	_ =	shalt  }
0x5b: {  	_ =	shalt  }
0x5c: {  	_ =	shalt  }
0x5d: {  	_ =	shalt  }
0x5e: {  	_ =	shalt  }
0x5f: {  	_ =	shalt  }
0x60: {  	_ =	shalt  }
0x61: {  	_ =	shalt  }
0x62: {  	_ =	shalt  }
0x63: {  	_ =	shalt  }
0x64: {  	_ =	shalt  }
0x65: {  	_ =	shalt  }
0x66: {  	_ =	shalt  }
0x67: {  	_ =	shalt  }
0x68: {  	_ =	shalt  }
0x69: {  	_ =	shalt  }
0x6a: {  	_ =	shalt  }
0x6b: {  	_ =	shalt  }
0x6c: {  	_ =	shalt  }
0x6d: {  	_ =	shalt  }
0x6e: {  	_ =	shalt  }
0x6f: {  	_ =	shalt  }
0x70: {  	_ =	shalt  }
0x71: {  	_ =	shalt  }
0x72: {  	_ =	shalt  }
0x73: {  	_ =	shalt  }
0x74: {  	_ =	shalt  }
0x75: {  	_ =	shalt  }
0x76: {  	_ =	shalt  }
0x77: {  	_ =	shalt  }
0x78: {  	_ =	shalt  }
0x79: {  	_ =	shalt  }
0x7a: {  	_ =	shalt  }
0x7b: {  	_ =	shalt  }
0x7c: {  	_ =	shalt  }
0x7d: {  	_ =	shalt  }
0x7e: {  	_ =	shalt  }
0x7f: {  	_ =	shalt  }
0x80: {  	_ =	shalt  }
0x81: {  	_ =	shalt  }
0x82: {  	_ =	shalt  }
0x83: {  	_ =	shalt  }
0x84: {  	_ =	shalt  }
0x85: {  	_ =	shalt  }
0x86: {  	_ =	shalt  }
0x87: {  	_ =	shalt  }
.Lfunc_end0:
.L_simem_size_0:
called_computation.1_lowered:
.L_overlay_start_0:
0x88: {  	s2 =	sld [smem:$0x3FD9]  }
0x89: {  	s3 =	sld [smem:$0x3FFE];
	_ =	sdelay $0x1  }
0x8a: {  	s1 =	srdreg.scid  }
0x8b: {  	s0 =	sand.u32 $0x1, s1  }
0x8c: {  	s17 =	sshll.u32 s0, $0xA;
	s2 =	sadd.s32 s3, s2  }
0x8d: {  	s2 =	sadd.s32 s2, s17  }
0x8e: {  	[smem:$0x3FC2] =	sst s2  }
0x8f: {  	_ = 	snop  }
0x90: {  	s2 =	sld [smem:$0x3FC4];
	(tm) =	ssettm $0x1  }
0x91: {  	s18 =	sld [smem:$0x3FFB];
	_ =	sdelay $0x3  }
0x92: {  	_ =	strace s18  }
0x93: {  	s3 =	sld [smem:$0x3FFC];
	_ =	sdelay $0x3  }
0x94: {  	_ =	strace s3  }
0x95: {  	s3 =	sld [smem:$0x3FFD];
	_ =	sdelay $0x3  }
0x96: {  	_ =	strace s3  }
0x97: {  	_ =	strace $0x8FFFFFFF  }
0x98: {  	s19 =	sld [smem:$0x3FDB];
	_ =	sdelay $0x1  }
0x99: {  	s4 =	simm.s32 $_scs_section_size  }
0x9a: {  	s5 =	simm.s32 $_size__tile_overlayer_lowered;
	s6 =	simm.s32 $_tile_overlayer_lowered  }
0x9b: {  	s22 =	simm.s32 $0x1BFF;
	s21 =	sshll.u32 s6, $0x1;
	s3 =	sadd.s32 s4, s19  }
0x9c: {  	s7 =	simm.s32 $0x0;
	s20 =	sshll.u32 s5, $0x1;
	s5 =	sadd.s32 s21, s3  }
0x9d: {  	[timem:s7], [sflag:s22] =	dma.local [hbm:s5], s20  }
0x9e: {  	_ =	swait.ge [sflag:s22], s20  }
0x9f: {  	s4 =	ssub.s32 $0x0, s20;
	[sflag:s22] =	ssyncset.done $0x0  }
0xa0: {  	[sflag:s22] =	ssyncadd.s32 s4;
	_ =	sdelay $0x1  }
0xa1: {  	s23 =	simm.s32 $0x1B8B  }
0xa2: {  	_ =	swait.ge [sflag:s23], $0x1  }
0xa3: {  	[sflag:s23] =	ssyncset.done $0x0  }
0xa4: {  	s25 =	simm.s32 $0x1B8E;
	s24 =	sld [smem:$0x3FFE];
	[sflag:s23] =	ssyncadd.s32 $0xFFFFFFFF  }
0xa5: {  	s26 =	simm.s32 $execute0_lowered;
	[smem:$0x3FD2] =	sst s25  }
0xa6: {  	s5 =	sshll.u32 s26, $0x1;
	_ =	strace $0x80000049;
	[dreg:$0x1] =	wrdreg $0xFFFFFFFF  }
0xa7: {  	s28 =	simm.s32 $_size_execute0_lowered;
	s3 =	sadd.s32 s3, s5;
	[dreg:$0x0] =	wrdreg $0x0  }
0xa8: {  	s5 =	sshll.u32 s28, $0x1;
	[dreg:$0x2] =	wrdreg s3  }
0xa9: {  	[dreg:$0x3] =	wrdreg s5  }
0xaa: {  	[dreg:$0x4] =	wrdreg $0xC0  }
0xab: {  	_ =	task [dreg:s7], $0x5FFFF  }
0xac: {  	[dreg:$0x1] =	wrdreg $0xFFFFFFFF  }
0xad: {  	[dreg:$0x0] =	wrdreg $0x60  }
0xae: {  	[dreg:$0x2] =	wrdreg s24  }
0xaf: {  	[dreg:$0x3] =	wrdreg s2  }
0xb0: {  	[dreg:$0x4] =	wrdreg $0x9  }
0xb1: {  	_ =	task.clear_ibuf [dreg:s7], $0x5FFFF;
	_ =	strace $0x90000049  }
0xb2: {  	s29 =	simm.s32 $0x9;
	_ =	strace $0x8000004B  }
0xb3: {  	_ =	swait.ge [sflag:s29], $0x1  }
0xb4: {  	[sflag:s29] =	ssyncadd.s32 $0xFFFFFFFF  }
0xb5: {  	_ =	strace $0x9000004B  }
0xb6: {  	_ =	sfence  }
0xb7: {  	s30 =	sld [smem:$0x0];
	_ =	sdelay $0x2  }
0xb8: {  	s31 =	sshll.u32 s1, $0xD;
	s1 =	sshrl.u32 s1, $0x2  }
0xb9: {  	s3 =	sand.u32 $0x4000, s31;
	s1 =	sadd.s32 s1, s30  }
0xba: {  	s0 =	sor.u32 s3, s0;
	s1 =	sshll.u32 s1, $0x11  }
0xbb: {  	s0 =	sor.u32 s1, s0  }
0xbc: {  	s0 =	sadd.s32 $0x8F2B, s0  }
0xbd: {  	[sflag:s0] =	ssyncadd.remote.s32 $0x1  }
0xbe: {  	_ =	sfence.sel $0xFFFF  }
0xbf: {  	[dreg:$0x0] =	wrdreg $0xFFFFFFFF;
	(pc) =	sbr.abs _section_cstart, $3  }
0xc0: {  	[dreg:$0x1] =	wrdreg $0xFFFFFFFF  }
0xc1: {  	_ =	task.clear_ibuf [dreg:s7], $0x2FFFF;
	_ =	strace $0x9FFFFFFF  }
0xc2: {  	(tm) =	ssettm $0x7FFFFFFF  }
0xc3: {  	_ =	shalt  }
tec
execute0_lowered:
.L_overlay_start_1:
0x0: {  	(tag) =	ssettag $0x1  }
0x1: {  	s1 =	srdreg.scid  }
0x2: {  	s0 =	stileid.u32;
	s4 =	sand.u32 $0x1, s1  }
0x3: {  	s5 =	rddreg [dreg:$0x1];
	s2 =	sshll.u32 s0, $0x3;
	s3 =	sshll.u32 s4, $0x2  }
0x4: {  	s1 =	rddreg [dreg:$0x0];
	s3 =	sor.u32 s3, s2;
	s2 =	simm.s32 $0x0  }
0x5: {  	s6 =	smul.u32 $0xC00, s3;
	[smem:$0x7FF] =	sst s2;
	s3 =	sadd.s32 s5, s3  }
0x6: {  	s24 =	simm.s32 $0x880;
	_ =	strace $0x8000004A;
	[dreg:$0x3] =	wrdreg s3  }
0x7: {  	s25 =	simm.s32 $0x1080;
	[dreg:$0x5] =	wrdreg s24  }
0x8: {  	s26 =	simm.s32 $0x1880;
	[dreg:$0x6] =	wrdreg s25  }
0x9: {  	s0 =	simm.s32 $0x2080;
	[dreg:$0x7] =	wrdreg s26  }
0xa: {  	s5 =	simm.s32 $0x2880;
	[dreg:$0x8] =	wrdreg s0  }
0xb: {  	s7 =	simm.s32 $0x3880;
	[dreg:$0x9] =	wrdreg s5  }
0xc: {  	s8 =	simm.s32 $0x4080;
	[dreg:$0xb] =	wrdreg s7  }
0xd: {  	s9 =	simm.s32 $0x4880;
	[dreg:$0xc] =	wrdreg s8  }
0xe: {  	s10 =	simm.s32 $0x5080;
	[dreg:$0xd] =	wrdreg s9  }
0xf: {  	s11 =	simm.s32 $0x5880;
	[dreg:$0xe] =	wrdreg s10  }
0x10: {  	s12 =	simm.s32 $0x6080;
	[dreg:$0xf] =	wrdreg s11  }
0x11: {  	s13 =	simm.s32 $0x6880;
	s14 =	simm.s32 $0x7080;
	[dreg:$0x10] =	wrdreg s12  }
0x12: {  	s15 =	simm.s32 $0x7880;
	s16 =	simm.s32 $0x8080;
	[dreg:$0x11] =	wrdreg s13  }
0x13: {  	s17 =	simm.s32 $0x8880;
	s18 =	simm.s32 $0x9080;
	[dreg:$0x12] =	wrdreg s14  }
0x14: {  	s20 =	simm.s32 $0x9880;
	s21 =	simm.s32 $0xA080;
	[dreg:$0x13] =	wrdreg s15  }
0x15: {  	s22 =	simm.s32 $0xA880;
	s28 =	simm.s32 $0x16080;
	[dreg:$0x14] =	wrdreg s16  }
0x16: {  	s29 =	simm.s32 $0x16880;
	s30 =	simm.s32 $0x17080;
	[dreg:$0x15] =	wrdreg s17  }
0x17: {  	s31 =	simm.s32 $0x17880;
	s4 =	ssub.s32 $0x2, s4;
	[dreg:$0x16] =	wrdreg s18  }
0x18: {  	s19 =	sshrl.u32 s4, $0x1;
	s3 =	sadd.s32 $0x1000, s1;
	[dreg:$0x17] =	wrdreg s20  }
0x19: {  	s15 =	ssub.s32 s4, s19;
	s4 =	sadd.s32 $0x1100, s1;
	[dreg:$0x18] =	wrdreg s21  }
0x1a: {  	s5 =	sadd.s32 $0x1200, s1;
	[dreg:$0x19] =	wrdreg s22;
	s7 =	simm.s32 $0xB080  }
0x1b: {  	s8 =	simm.s32 $0xB880;
	s9 =	simm.s32 $0xC080;
	s10 =	simm.s32 $0xC880  }
0x1c: {  	s11 =	simm.s32 $0xD080;
	s12 =	simm.s32 $0xD880;
	[dreg:$0x1a] =	wrdreg s7  }
0x1d: {  	s13 =	simm.s32 $0xE080;
	s14 =	simm.s32 $0xE880;
	[dreg:$0x1b] =	wrdreg s8  }
0x1e: {  	s16 =	simm.s32 $0xF080;
	s24 =	simm.s32 $0x10080;
	[dreg:$0x1c] =	wrdreg s9  }
0x1f: {  	s25 =	simm.s32 $0x10880;
	s17 =	simm.s32 $0x80;
	[dreg:$0x1d] =	wrdreg s10  }
0x20: {  	s26 =	simm.s32 $0x11080;
	s19 =	simm.s32 $0x12080;
	[dreg:$0x1e] =	wrdreg s11  }
0x21: {  	s20 =	simm.s32 $0x12880;
	s21 =	simm.s32 $0x13080;
	[dreg:$0x1f] =	wrdreg s12  }
0x22: {  	s22 =	simm.s32 $0x13880;
	s6 =	sadd.s32 s6, s1;
	[smem:$0x7F7] =	sst s13  }
0x23: {  	s7 =	sadd.s32 $0x1400, s1;
	s8 =	sadd.s32 $0x1500, s1;
	[smem:$0x7F8] =	sst s14  }
0x24: {  	s9 =	sadd.s32 $0x1600, s1;
	s10 =	sadd.s32 $0x1700, s1;
	[smem:$0x7F9] =	sst s16  }
0x25: {  	s11 =	sadd.s32 $0x1800, s1;
	s12 =	sadd.s32 $0x1900, s1;
	[smem:$0x7FB] =	sst s24  }
0x26: {  	s13 =	sadd.s32 $0x1A00, s1;
	s14 =	sadd.s32 $0x1B00, s1;
	[smem:$0x7FC] =	sst s25  }
0x27: {  	s15 =	smax.u32 s15, $0x1;
	s16 =	simm.s32 $0x2;
	[smem:$0x7FD] =	sst s26  }
0x28: {  	s24 =	simm.s32 $0x14880;
	s25 =	simm.s32 $0x15080;
	s23 =	sadd.s32 $0x754000, s6  }
0x29: {  	v2 =	vlaneseq.u32;
	s26 =	simm.s32 $0x15880;
	s6 =	simm.s32 $0x3080;
	[dreg:$0x4] =	wrdreg s23  }
0x2a: {  	vm0 =	vmmov $0xffff;
	v1 =	vshrl.u32 v2, $0x3;
	[dreg:$0xa] =	wrdreg s6;
	s6 =	sadd.s32 $0x1300, s1;
	s23 =	simm.s32 $0xF880  }
0x2b: {  	v0 =	vand.u32 $0x7, v2;
	v2 =	vor.u32 $0x8, v2;
	v1 =	vmul.u32 $0x8, v1;
	s1 =	simm.s32 $0x1;
	[smem:$0x7FA] =	sst s23;
	s23 =	simm.s32 $0x14080  }
.LBB2_1:
0x2c: {  	s0 =	rddreg [dreg:$0x3]  }
0x2d: {  	[tilespmem:s2], [sflag:$0x2] =	stream.linear.gather [hbm4b:s0+s2], $0x20, $0x38;
	[tilespmem:$0x18080] =	vst v63  }
0x2e: {  	_ =	swait.ge [sflag:s16], $0x20  }
0x2f: {  	[sflag:s16] =	ssyncset.done $0x0  }
0x30: {  	[sflag:s16] =	ssyncadd.s32 $0xFFFFFFE0  }
0x31: {  	v3 =	vld [tilespmem:$0x0];
	_ =	sdelay $0x4  }
0x32: {  	v4 =	vshrl.u32 v3, $0x3  }
0x33: {  	v4 =	vmul.u32 $0xC0, v4  }
0x34: {  	v3 =	vand.u32 $0x7, v3  }
0x35: {  	v3 =	vor.u32 v3, v4  }
0x36: {  	v4 =	vperm.xlane v3, v0;
	_ =	sdelay $0x1  }
0x37: {  	v4 =	vadd.s32 v1, v4;
	_ =	sdelay $0x4  }
0x38: {  	[tilespmem:s17], [sflag:$0x1] =	stream.indirect_vreg.gather [hbm4b:s3+s2], $0x80, v4, vm0, $0xb8;
	[tilespmem:$0x18080] =	vst v63  }
0x39: {  	s0 =	rddreg [dreg:$0x5]  }
0x3a: {  	[tilespmem:s0], [sflag:$0x1] =	stream.indirect_vreg.gather [hbm4b:s4+s2], $0x80, v4, vm0, $0xb8;
	[tilespmem:$0x18080] =	vst v63  }
0x3b: {  	s18 =	rddreg [dreg:$0x6]  }
0x3c: {  	[tilespmem:s18], [sflag:$0x1] =	stream.indirect_vreg.gather [hbm4b:s5+s2], $0x80, v4, vm0, $0xb8;
	[tilespmem:$0x18080] =	vst v63  }
0x3d: {  	s0 =	rddreg [dreg:$0x7]  }
0x3e: {  	[tilespmem:s0], [sflag:$0x1] =	stream.indirect_vreg.gather [hbm4b:s6+s2], $0x80, v4, vm0, $0xb8;
	[tilespmem:$0x18080] =	vst v63  }
0x3f: {  	s18 =	rddreg [dreg:$0x8]  }
0x40: {  	[tilespmem:s18], [sflag:$0x1] =	stream.indirect_vreg.gather [hbm4b:s7+s2], $0x80, v4, vm0, $0xb8;
	[tilespmem:$0x18080] =	vst v63  }
0x41: {  	s0 =	rddreg [dreg:$0x9]  }
0x42: {  	[tilespmem:s0], [sflag:$0x1] =	stream.indirect_vreg.gather [hbm4b:s8+s2], $0x80, v4, vm0, $0xb8;
	[tilespmem:$0x18080] =	vst v63  }
0x43: {  	s18 =	rddreg [dreg:$0xa]  }
0x44: {  	[tilespmem:s18], [sflag:$0x1] =	stream.indirect_vreg.gather [hbm4b:s9+s2], $0x80, v4, vm0, $0xb8;
	[tilespmem:$0x18080] =	vst v63  }
0x45: {  	s0 =	rddreg [dreg:$0xb]  }
0x46: {  	[tilespmem:s0], [sflag:$0x1] =	stream.indirect_vreg.gather [hbm4b:s10+s2], $0x80, v4, vm0, $0xb8;
	[tilespmem:$0x18080] =	vst v63  }
0x47: {  	s18 =	rddreg [dreg:$0xc]  }
0x48: {  	[tilespmem:s18], [sflag:$0x1] =	stream.indirect_vreg.gather [hbm4b:s11+s2], $0x80, v4, vm0, $0xb8;
	[tilespmem:$0x18080] =	vst v63  }
0x49: {  	v3 =	vperm.xlane v3, v2;
	s0 =	rddreg [dreg:$0xd]  }
0x4a: {  	[tilespmem:s0], [sflag:$0x1] =	stream.indirect_vreg.gather [hbm4b:s12+s2], $0x80, v4, vm0, $0xb8;
	[tilespmem:$0x18080] =	vst v63  }
0x4b: {  	v3 =	vadd.s32 v1, v3;
	s18 =	rddreg [dreg:$0xe]  }
0x4c: {  	[tilespmem:s18], [sflag:$0x1] =	stream.indirect_vreg.gather [hbm4b:s13+s2], $0x80, v4, vm0, $0xb8;
	[tilespmem:$0x18080] =	vst v63  }
0x4d: {  	s0 =	rddreg [dreg:$0xf]  }
0x4e: {  	[tilespmem:s0], [sflag:$0x1] =	stream.indirect_vreg.gather [hbm4b:s14+s2], $0x80, v4, vm0, $0xb8;
	[tilespmem:$0x18080] =	vst v63  }
0x4f: {  	s18 =	rddreg [dreg:$0x10]  }
0x50: {  	[tilespmem:s18], [sflag:$0x1] =	stream.indirect_vreg.gather [hbm4b:s3+s2], $0x80, v3, vm0, $0xb8;
	[tilespmem:$0x18080] =	vst v63  }
0x51: {  	s0 =	rddreg [dreg:$0x11]  }
0x52: {  	[tilespmem:s0], [sflag:$0x1] =	stream.indirect_vreg.gather [hbm4b:s4+s2], $0x80, v3, vm0, $0xb8;
	[tilespmem:$0x18080] =	vst v63  }
0x53: {  	s18 =	rddreg [dreg:$0x12]  }
0x54: {  	[tilespmem:s18], [sflag:$0x1] =	stream.indirect_vreg.gather [hbm4b:s5+s2], $0x80, v3, vm0, $0xb8;
	[tilespmem:$0x18080] =	vst v63  }
0x55: {  	s0 =	rddreg [dreg:$0x13]  }
0x56: {  	[tilespmem:s0], [sflag:$0x1] =	stream.indirect_vreg.gather [hbm4b:s6+s2], $0x80, v3, vm0, $0xb8;
	[tilespmem:$0x18080] =	vst v63  }
0x57: {  	s18 =	rddreg [dreg:$0x14]  }
0x58: {  	[tilespmem:s18], [sflag:$0x1] =	stream.indirect_vreg.gather [hbm4b:s7+s2], $0x80, v3, vm0, $0xb8;
	[tilespmem:$0x18080] =	vst v63  }
0x59: {  	s0 =	rddreg [dreg:$0x15]  }
0x5a: {  	[tilespmem:s0], [sflag:$0x1] =	stream.indirect_vreg.gather [hbm4b:s8+s2], $0x80, v3, vm0, $0xb8;
	[tilespmem:$0x18080] =	vst v63  }
0x5b: {  	s18 =	rddreg [dreg:$0x16]  }
0x5c: {  	[tilespmem:s18], [sflag:$0x1] =	stream.indirect_vreg.gather [hbm4b:s9+s2], $0x80, v3, vm0, $0xb8;
	[tilespmem:$0x18080] =	vst v63  }
0x5d: {  	s0 =	rddreg [dreg:$0x17]  }
0x5e: {  	[tilespmem:s0], [sflag:$0x1] =	stream.indirect_vreg.gather [hbm4b:s10+s2], $0x80, v3, vm0, $0xb8;
	[tilespmem:$0x18080] =	vst v63  }
0x5f: {  	s18 =	rddreg [dreg:$0x18]  }
0x60: {  	[tilespmem:s18], [sflag:$0x1] =	stream.indirect_vreg.gather [hbm4b:s11+s2], $0x80, v3, vm0, $0xb8;
	[tilespmem:$0x18080] =	vst v63  }
0x61: {  	s0 =	rddreg [dreg:$0x19]  }
0x62: {  	[tilespmem:s0], [sflag:$0x1] =	stream.indirect_vreg.gather [hbm4b:s12+s2], $0x80, v3, vm0, $0xb8;
	[tilespmem:$0x18080] =	vst v63  }
0x63: {  	s18 =	rddreg [dreg:$0x1a]  }
0x64: {  	[tilespmem:s18], [sflag:$0x1] =	stream.indirect_vreg.gather [hbm4b:s13+s2], $0x80, v3, vm0, $0xb8;
	[tilespmem:$0x18080] =	vst v63  }
0x65: {  	s0 =	rddreg [dreg:$0x1b]  }
0x66: {  	[tilespmem:s0], [sflag:$0x1] =	stream.indirect_vreg.gather [hbm4b:s14+s2], $0x80, v3, vm0, $0xb8;
	[tilespmem:$0x18080] =	vst v63  }
0x67: {  	v3 =	vld [tilespmem:$0x10];
	_ =	sdelay $0x4  }
0x68: {  	v63 =	vshrl.u32 v3, $0x3  }
0x69: {  	v4 =	vmul.u32 $0xC0, v63  }
0x6a: {  	v3 =	vand.u32 $0x7, v3  }
0x6b: {  	v3 =	vor.u32 v3, v4  }
0x6c: {  	v4 =	vperm.xlane v3, v0;
	_ =	sdelay $0x1  }
0x6d: {  	v4 =	vadd.s32 v1, v4;
	_ =	sdelay $0x2  }
0x6e: {  	s18 =	rddreg [dreg:$0x1d]  }
0x6f: {  	s0 =	rddreg [dreg:$0x1c]  }
0x70: {  	[tilespmem:s0], [sflag:$0x1] =	stream.indirect_vreg.gather [hbm4b:s3+s2], $0x80, v4, vm0, $0xb8;
	[tilespmem:$0x18080] =	vst v63  }
0x71: {  	s0 =	rddreg [dreg:$0x1e]  }
0x72: {  	[tilespmem:s18], [sflag:$0x1] =	stream.indirect_vreg.gather [hbm4b:s4+s2], $0x80, v4, vm0, $0xb8;
	[tilespmem:$0x18080] =	vst v63  }
0x73: {  	s18 =	rddreg [dreg:$0x1f]  }
0x74: {  	[tilespmem:s0], [sflag:$0x1] =	stream.indirect_vreg.gather [hbm4b:s5+s2], $0x80, v4, vm0, $0xb8;
	[tilespmem:$0x18080] =	vst v63  }
0x75: {  	s0 =	sld [smem:$0x7F7]  }
0x76: {  	[tilespmem:s18], [sflag:$0x1] =	stream.indirect_vreg.gather [hbm4b:s6+s2], $0x80, v4, vm0, $0xb8;
	[tilespmem:$0x18080] =	vst v63  }
0x77: {  	s18 =	sld [smem:$0x7F8]  }
0x78: {  	[tilespmem:s0], [sflag:$0x1] =	stream.indirect_vreg.gather [hbm4b:s7+s2], $0x80, v4, vm0, $0xb8;
	[tilespmem:$0x18080] =	vst v63  }
0x79: {  	s0 =	sld [smem:$0x7F9]  }
0x7a: {  	[tilespmem:s18], [sflag:$0x1] =	stream.indirect_vreg.gather [hbm4b:s8+s2], $0x80, v4, vm0, $0xb8;
	[tilespmem:$0x18080] =	vst v63  }
0x7b: {  	s18 =	sld [smem:$0x7FA]  }
0x7c: {  	[tilespmem:s0], [sflag:$0x1] =	stream.indirect_vreg.gather [hbm4b:s9+s2], $0x80, v4, vm0, $0xb8;
	[tilespmem:$0x18080] =	vst v63  }
0x7d: {  	s0 =	sld [smem:$0x7FB]  }
0x7e: {  	[tilespmem:s18], [sflag:$0x1] =	stream.indirect_vreg.gather [hbm4b:s10+s2], $0x80, v4, vm0, $0xb8;
	[tilespmem:$0x18080] =	vst v63  }
0x7f: {  	s18 =	sld [smem:$0x7FC]  }
0x80: {  	[tilespmem:s0], [sflag:$0x1] =	stream.indirect_vreg.gather [hbm4b:s11+s2], $0x80, v4, vm0, $0xb8;
	[tilespmem:$0x18080] =	vst v63  }
0x81: {  	v3 =	vperm.xlane v3, v2;
	s0 =	sld [smem:$0x7FD]  }
0x82: {  	[tilespmem:s18], [sflag:$0x1] =	stream.indirect_vreg.gather [hbm4b:s12+s2], $0x80, v4, vm0, $0xb8;
	[tilespmem:$0x18080] =	vst v63  }
0x83: {  	v3 =	vadd.s32 v1, v3  }
0x84: {  	[tilespmem:s0], [sflag:$0x1] =	stream.indirect_vreg.gather [hbm4b:s13+s2], $0x80, v4, vm0, $0xb8;
	[tilespmem:$0x18080] =	vst v63  }
0x85: {  	s18 =	simm.s32 $0x11880  }
0x86: {  	[tilespmem:s18], [sflag:$0x1] =	stream.indirect_vreg.gather [hbm4b:s14+s2], $0x80, v4, vm0, $0xb8;
	[tilespmem:$0x18080] =	vst v63  }
0x87: {  	_ = 	snop  }
0x88: {  	[tilespmem:s19], [sflag:$0x1] =	stream.indirect_vreg.gather [hbm4b:s3+s2], $0x80, v3, vm0, $0xb8;
	[tilespmem:$0x18080] =	vst v63  }
0x89: {  	_ = 	snop  }
0x8a: {  	[tilespmem:s20], [sflag:$0x1] =	stream.indirect_vreg.gather [hbm4b:s4+s2], $0x80, v3, vm0, $0xb8;
	[tilespmem:$0x18080] =	vst v63  }
0x8b: {  	_ = 	snop  }
0x8c: {  	[tilespmem:s21], [sflag:$0x1] =	stream.indirect_vreg.gather [hbm4b:s5+s2], $0x80, v3, vm0, $0xb8;
	[tilespmem:$0x18080] =	vst v63  }
0x8d: {  	_ = 	snop  }
0x8e: {  	[tilespmem:s22], [sflag:$0x1] =	stream.indirect_vreg.gather [hbm4b:s6+s2], $0x80, v3, vm0, $0xb8;
	[tilespmem:$0x18080] =	vst v63  }
0x8f: {  	_ = 	snop  }
0x90: {  	[tilespmem:s23], [sflag:$0x1] =	stream.indirect_vreg.gather [hbm4b:s7+s2], $0x80, v3, vm0, $0xb8;
	[tilespmem:$0x18080] =	vst v63  }
0x91: {  	_ = 	snop  }
0x92: {  	[tilespmem:s24], [sflag:$0x1] =	stream.indirect_vreg.gather [hbm4b:s8+s2], $0x80, v3, vm0, $0xb8;
	[tilespmem:$0x18080] =	vst v63  }
0x93: {  	_ = 	snop  }
0x94: {  	[tilespmem:s25], [sflag:$0x1] =	stream.indirect_vreg.gather [hbm4b:s9+s2], $0x80, v3, vm0, $0xb8;
	[tilespmem:$0x18080] =	vst v63  }
0x95: {  	_ = 	snop  }
0x96: {  	[tilespmem:s26], [sflag:$0x1] =	stream.indirect_vreg.gather [hbm4b:s10+s2], $0x80, v3, vm0, $0xb8;
	[tilespmem:$0x18080] =	vst v63  }
0x97: {  	_ = 	snop  }
0x98: {  	[tilespmem:s28], [sflag:$0x1] =	stream.indirect_vreg.gather [hbm4b:s11+s2], $0x80, v3, vm0, $0xb8;
	[tilespmem:$0x18080] =	vst v63  }
0x99: {  	_ = 	snop  }
0x9a: {  	[tilespmem:s29], [sflag:$0x1] =	stream.indirect_vreg.gather [hbm4b:s12+s2], $0x80, v3, vm0, $0xb8;
	[tilespmem:$0x18080] =	vst v63  }
0x9b: {  	_ = 	snop  }
0x9c: {  	[tilespmem:s30], [sflag:$0x1] =	stream.indirect_vreg.gather [hbm4b:s13+s2], $0x80, v3, vm0, $0xb8;
	[tilespmem:$0x18080] =	vst v63  }
0x9d: {  	_ = 	snop  }
0x9e: {  	[tilespmem:s31], [sflag:$0x1] =	stream.indirect_vreg.gather [hbm4b:s14+s2], $0x80, v3, vm0, $0xb8;
	[tilespmem:$0x18080] =	vst v63  }
0x9f: {  	_ =	swait.ge [sflag:s1], $0x18000  }
0xa0: {  	p0 =	sne.s32 s15, $0x1;
	[sflag:s1] =	ssyncset.done $0x0  }
.Ltmp0:
0xa1: {  	s18 =	rddreg [dreg:$0x4];
	[sflag:s1] =	ssyncadd.s32 $0xFFFE8000;
	(pc) =	sbr.rel @p0 .LBB2_1-.Ltmp0, $4  }
0xa2: {  	[hbm4b:s18+s2] =	stream.linear.scatter [tilespmem:s17], [sflag:$0x2], $0x18000, $0x38;
	[tilespmem:$0x18080] =	vst v63  }
0xa3: {  	_ =	swait.ge [sflag:s16], $0x18000  }
0xa4: {  	[sflag:s16] =	ssyncset.done $0x0  }
0xa5: {  	s15 =	sadd.s32 $0xFFFFFFFF, s15;
	[sflag:s16] =	ssyncadd.s32 $0xFFFE8000  }
0xa6: {  	_ =	sfence.sel $0x180000  }
0xa7: {  	[bflag:$0x0] =	sbarrier.arrive $0xFFFF  }
0xa8: {  	_ =	strace $0x9000004A  }
0xa9: {  	s0 =	stileid.u32;
	[bflag:$0x2] =	sbarrier.arrive $0xFFFF  }
0xaa: {  	p0 =	sne.s32 s0, $0x0;
	s0 =	rddreg [dreg:$0x2]  }
0xab: {  	s0 =	sadd.s32 @!p0 $0x100000, s0  }
0xac: {  	[sflag:s0] =	ssyncadd.tile.s32 @!p0 $0x1;
	_ =	shalt  }
.Lfunc_end2:
_tile_overlayer_lowered:
.L_overlay_start_2:
0xad: {  	(tag) =	ssettag $0x2  }
0xae: {  	s0 =	rddreg [dreg:$0x0];
	s2 =	stileid.u32  }
0xaf: {  	s1 =	rddreg [dreg:$0x1];
	p0 =	sne.s32 s2, $0x0  }
0xb0: {  	s3 =	rddreg [dreg:$0x2];
	[bflag:$0x3] =	sbarrier.arrive $0xFFFF;
	s2 =	simm.s32 @!p0 $0x1C02  }
0xb1: {  	[timem:s3], [sflag:s2] =	dma.local @!p0 [hbm:s0], s1  }
0xb2: {  	s0 =	simm.s32 @!p0 $0x2  }
0xb3: {  	_ =	swait.ge @!p0 [sflag:s0], s1  }
0xb4: {  	s1 =	ssub.s32 @!p0 $0x0, s1;
	[sflag:s0] =	ssyncset.done @!p0 $0x0  }
0xb5: {  	[sflag:s0] =	ssyncadd.s32 @!p0 s1  }
0xb6: {  	[bflag:$0x3] =	sbarrier.arrive $0xFFFF  }
0xb7: {  	_ =	shalt  }

</sc_bundles>
